<compile_context>
chip_gen: v7x
topology: tpu7x:2x2x1
jax: 0.10.2.dev20260603
libtpu: 0.0.44.dev20260713+nightly
codegen_flags: <defaults>
</compile_context>

<pallas_src>
import functools
import jax
import jax.numpy as jnp
from jax import lax
from jax.experimental import pallas as pl
from jax.experimental.pallas import tpu as pltpu
from jax.experimental.pallas import tpu_sc as plsc

_NC = 2
_NS = 16
_NW = _NC * _NS


def _sc_aggregate(x, src, dst, zeros_hbm, *, n, d, e):
    epw = e // _NW
    chunk = 80
    kbuf = 1
    nchunk = -(-epw // chunk)
    ngather = nchunk
    pad = ngather * chunk - epw
    rfull = 640
    rlast = n - 15 * rfull
    nacc = n + 16

    src2 = src.reshape(_NW, epw)
    dst2 = dst.reshape(_NW, epw)
    fill_src = jnp.zeros((_NW, pad), jnp.int32)
    fill_dst = jnp.full((_NW, nchunk * chunk - epw), n, jnp.int32)
    src3 = jnp.concatenate([src2, fill_src], axis=1)
    dst3 = jnp.concatenate([dst2, fill_dst], axis=1).reshape(
        _NW, nchunk, chunk)

    mesh = plsc.VectorSubcoreMesh(core_axis_name="c", subcore_axis_name="s")

    @functools.partial(
        pl.kernel,
        out_type=jax.ShapeDtypeStruct((_NC, n, d), jnp.float32),
        mesh=mesh,
        scratch_types=[
            pltpu.VMEM((ngather * chunk,), jnp.int32),
            pltpu.VMEM((nchunk, chunk), jnp.int32),
            [pltpu.VMEM((chunk, d), jnp.float32)] * kbuf,
            pltpu.VMEM_SHARED((nacc, d), jnp.float32),
            [pltpu.SemaphoreType.DMA] * kbuf,
        ],
    )
    def agg_kernel(x_hbm, src_hbm, dst_hbm, zeros_hbm_ref, out_hbm,
                   src_v, dst_v, rows_bufs, acc_sh, gsems):
        c = lax.axis_index("c")
        s = lax.axis_index("s")
        wid = s * _NC + c

        pltpu.sync_copy(src_hbm.at[wid], src_v)
        pltpu.sync_copy(dst_hbm.at[wid], dst_v)

        row0 = s * rfull

        @pl.when(jnp.logical_and(c == 0, s < 15))
        def _():
            pltpu.sync_copy(x_hbm.at[pl.ds(row0, rfull)],
                            acc_sh.at[pl.ds(row0, rfull)])

        @pl.when(jnp.logical_and(c == 0, s == 15))
        def _():
            pltpu.sync_copy(x_hbm.at[pl.ds(15 * rfull, rlast)],
                            acc_sh.at[pl.ds(15 * rfull, rlast)])

        @pl.when(jnp.logical_and(c == 1, s < 15))
        def _():
            pltpu.sync_copy(zeros_hbm_ref,
                            acc_sh.at[pl.ds(row0, rfull)])

        @pl.when(jnp.logical_and(c == 1, s == 15))
        def _():
            pltpu.sync_copy(zeros_hbm_ref.at[pl.ds(0, rlast)],
                            acc_sh.at[pl.ds(15 * rfull, rlast)])

        plsc.subcore_barrier()

        def body(j, carry):
            pltpu.async_copy(x_hbm.at[src_v.at[pl.ds(j * chunk, chunk)]],
                             rows_bufs[0], gsems[0]).wait()
            pltpu.sync_copy(rows_bufs[0], acc_sh.at[dst_v.at[j]], add=True)
            return carry

        lax.fori_loop(0, nchunk, body, 0)

        plsc.subcore_barrier()

        @pl.when(s < 15)
        def _():
            pltpu.sync_copy(acc_sh.at[pl.ds(row0, rfull)],
                            out_hbm.at[c, pl.ds(row0, rfull)])

        @pl.when(s == 15)
        def _():
            pltpu.sync_copy(acc_sh.at[pl.ds(15 * rfull, rlast)],
                            out_hbm.at[c, pl.ds(15 * rfull, rlast)])

    return agg_kernel(x, src3, dst3, zeros_hbm)


def _tc_fused(agg2, w1, b1, g1, be1, w2, b2, wg, bg, batch2d, g3, b3, wh, bh,
              *, n, d, h, g, cdim, rows):
    nb = n // rows

    def body(agg_ref, w1_ref, b1_ref, g1_ref, be1_ref, w2_ref, b2_ref,
             wg_ref, bg_ref, b_ref, g3_ref, b3_ref, wh_ref, bh_ref,
             out_ref, h1_s, h2_s, st_s):
        i = pl.program_id(0)

        @pl.when(i < nb)
        def _():
            a = agg_ref[0] + agg_ref[1]
            h1 = jnp.dot(a, w1_ref[...],
                         preferred_element_type=jnp.float32) + b1_ref[...]
            h1_s[pl.ds(i * rows, rows), :] = h1

            @pl.when(i == 0)
            def _():
                st_s[...] = jnp.zeros_like(st_s)

            st_s[0:1, :] += jnp.sum(h1, axis=0, keepdims=True)
            st_s[1:2, :] += jnp.sum(h1 * h1, axis=0, keepdims=True)

        @pl.when(jnp.logical_and(i >= nb, i < 2 * nb))
        def _():
            j = i - nb
            mean = st_s[0:1, :] / n
            var = st_s[1:2, :] / n - mean * mean
            scale = g1_ref[...] * lax.rsqrt(var + 1e-5)
            shift = be1_ref[...] - mean * scale
            h1 = h1_s[pl.ds(j * rows, rows), :]
            q = jnp.maximum(h1 * scale + shift, 0.0)
            h2 = jnp.dot(q, w2_ref[...], preferred_element_type=jnp.float32)
            h2_s[pl.ds(j * rows, rows), :] = jnp.maximum(h2 + b2_ref[...],
                                                         0.0)

        @pl.when(i == 2 * nb)
        def _():
            h2v = h2_s[...]
            lg = jnp.dot(h2v, wg_ref[...],
                         preferred_element_type=jnp.float32) + bg_ref[...]
            bidx = b_ref[...]
            gid = lax.broadcasted_iota(jnp.int32, (1, g), 1)
            member = bidx == gid
            onehot = member.astype(jnp.float32)

            neg = jnp.float32(-3.0e38)
            masked = jnp.where(member, lg, neg)
            segmax = jnp.max(masked, axis=0, keepdims=True)
            nodemax = jnp.max(jnp.where(member, segmax, neg),
                              axis=1, keepdims=True)
            ex = jnp.exp(lg - nodemax)
            segsum = jnp.sum(onehot * ex, axis=0, keepdims=True)
            nodesum = jnp.sum(jnp.where(member, segsum, 0.0),
                              axis=1, keepdims=True)
            attn = ex / (nodesum + 1e-16)

            weighted = attn * h2v
            pooled = lax.dot_general(
                onehot, weighted,
                dimension_numbers=(((0,), (0,)), ((), ())),
                preferred_element_type=jnp.float32)

            mu = jnp.mean(pooled, axis=0, keepdims=True)
            var = jnp.mean((pooled - mu) ** 2, axis=0, keepdims=True)
            z = (pooled - mu) / jnp.sqrt(var + 1e-5)
            z = z * g3_ref[...] + b3_ref[...]

            z = jnp.dot(z, wh_ref[...], preferred_element_type=jnp.float32)
            z = z + bh_ref[...]
            m = jnp.max(z, axis=1, keepdims=True)
            lse = m + jnp.log(jnp.sum(jnp.exp(z - m), axis=1, keepdims=True))
            out_ref[...] = z - lse

    cfix = lambda i: (0, 0)
    return pl.pallas_call(
        body,
        grid=(2 * nb + 1,),
        in_specs=[
            pl.BlockSpec((2, rows, d), lambda i: (0, jnp.minimum(i, nb - 1),
                                                  0)),
            pl.BlockSpec((d, h), cfix),
            pl.BlockSpec((1, h), cfix),
            pl.BlockSpec((1, h), cfix),
            pl.BlockSpec((1, h), cfix),
            pl.BlockSpec((h, h), cfix),
            pl.BlockSpec((1, h), cfix),
            pl.BlockSpec((h, 1), cfix),
            pl.BlockSpec((1, 1), cfix),
            pl.BlockSpec((n, 1), cfix),
            pl.BlockSpec((1, h), cfix),
            pl.BlockSpec((1, h), cfix),
            pl.BlockSpec((h, cdim), cfix),
            pl.BlockSpec((1, cdim), cfix),
        ],
        out_specs=pl.BlockSpec((g, cdim), cfix),
        out_shape=jax.ShapeDtypeStruct((g, cdim), jnp.float32),
        scratch_shapes=[
            pltpu.VMEM((n, h), jnp.float32),
            pltpu.VMEM((n, h), jnp.float32),
            pltpu.VMEM((8, h), jnp.float32),
        ],
    )(agg2, w1, b1, g1, be1, w2, b2, wg, bg, batch2d, g3, b3, wh, bh)


def kernel(x, edge_index, batch, W1, b1, g1, be1, W2, b2, Wg, bg, g3, b3,
           Wh, bh):
    n, d = x.shape
    e = edge_index.shape[1]
    h = W1.shape[1]
    g = 64
    cdim = Wh.shape[1]

    src = edge_index[0]
    dst = edge_index[1]
    zeros_hbm = jnp.zeros((640, d), dtype=jnp.float32)

    agg2 = _sc_aggregate(x, src, dst, zeros_hbm, n=n, d=d, e=e)

    out = _tc_fused(agg2, W1, b1.reshape(1, h), g1.reshape(1, h),
                    be1.reshape(1, h), W2, b2.reshape(1, h), Wg,
                    bg.reshape(1, 1), batch.reshape(n, 1).astype(jnp.int32),
                    g3.reshape(1, h), b3.reshape(1, h), Wh,
                    bh.reshape(1, cdim),
                    n=n, d=d, h=h, g=g, cdim=cdim, rows=2000)
    return out

# --- scband reference (transcript-rebuilt; emitter-appended) ---
"""Pipeline reference for scband-better-model-22557168239477 (READ-ONLY COPY).

The authoritative reference and input builder live on the scoring server;
editing this copy changes nothing except your own understanding.
"""

import jax, jax.numpy as jnp
import numpy as np

N = 10000
E = 320000
D = 128
H = 128
C = 10
G = 64


def _bn(h, g, b):
    mu = jnp.mean(h, axis=0)
    var = jnp.var(h, axis=0)
    return (h - mu) / jnp.sqrt(var + 1e-5) * g + b


def setup_inputs(seed: int = 0) -> dict:
    key = jax.random.key(seed)
    ks = jax.random.split(key, 16)
    x = jax.random.normal(ks[0], (N, D), dtype=jnp.float32)
    edge_index = jax.random.randint(ks[1], (2, E), 0, N, dtype=jnp.int32)
    batch = jnp.sort(jax.random.randint(ks[2], (N,), 0, G, dtype=jnp.int32))
    W1 = jax.random.normal(ks[3], (D, H), dtype=jnp.float32) * 0.05
    b1 = jnp.zeros((H,), dtype=jnp.float32)
    g1 = jnp.ones((H,), dtype=jnp.float32)
    be1 = jnp.zeros((H,), dtype=jnp.float32)
    W2 = jax.random.normal(ks[4], (H, H), dtype=jnp.float32) * 0.05
    b2 = jnp.zeros((H,), dtype=jnp.float32)
    Wg = jax.random.normal(ks[5], (H, 1), dtype=jnp.float32) * 0.05
    bg = jnp.zeros((1,), dtype=jnp.float32)
    g3 = jnp.ones((H,), dtype=jnp.float32)
    b3 = jnp.zeros((H,), dtype=jnp.float32)
    Wh = jax.random.normal(ks[6], (H, C), dtype=jnp.float32) * 0.05
    bh = jnp.zeros((C,), dtype=jnp.float32)
    return {"x": x, "edge_index": edge_index, "batch": batch,
            "W1": W1, "b1": b1, "g1": g1, "be1": be1,
            "W2": W2, "b2": b2, "Wg": Wg, "bg": bg,
            "g3": g3, "b3": b3, "Wh": Wh, "bh": bh}


def reference(x, edge_index, batch, W1, b1, g1, be1, W2, b2, Wg, bg, g3, b3, Wh, bh):
    src = edge_index[0]
    dst = edge_index[1]
    # GINConv: (1 + eps) * x + sum_{j in N(i)} x_j, eps = 0
    agg = jnp.zeros_like(x).at[dst].add(x[src])
    h = x + agg
    # MLP [in_dim, hidden, hidden]: Linear -> BatchNorm -> ReLU -> Linear
    h = h @ W1 + b1
    h = jax.nn.relu(_bn(h, g1, be1))
    h = h @ W2 + b2
    # outer ReLU from forward()
    h = jax.nn.relu(h)
    # AttentionalAggregation with gate Linear(hidden, 1): per-graph softmax
    logits = (h @ Wg + bg)[:, 0]
    m = jax.ops.segment_max(logits, batch, num_segments=G)
    e = jnp.exp(logits - m[batch])
    s = jax.ops.segment_sum(e, batch, num_segments=G)
    attn = e / (s[batch] + 1e-16)
    pooled = jax.ops.segment_sum(attn[:, None] * h, batch, num_segments=G)
    # head: BatchNorm1d -> Dropout (identity at eval) -> Linear -> log_softmax
    z = _bn(pooled, g3, b3)
    z = z @ Wh + bh
    return jax.nn.log_softmax(z, axis=-1)

if __name__ == "__main__":
    import jax
    _d = setup_inputs()
    print(jax.jit(kernel)(*tuple(_d.values())))

</pallas_src>

<mosaic_0001>
#map = affine_map<(d0, d1) -> (0, 0)>
#map1 = affine_map<(d0, d1) -> (0, 0, 0)>
module attributes {stable_mosaic.version = 14 : i64} {
  func.func @agg_kernel(%arg0: i32, %arg1: i32, %arg2: memref<10000x128xf32, #tpu.memory_space<hbm>>, %arg3: memref<32x10000xi32, #tpu.memory_space<hbm>>, %arg4: memref<32x125x80xi32, #tpu.memory_space<hbm>>, %arg5: memref<640x128xf32, #tpu.memory_space<hbm>>, %arg6: memref<2x10000x128xf32, #tpu.memory_space<hbm>>, %arg7: memref<10000xi32, #tpu.memory_space<vmem>>, %arg8: memref<125x80xi32, #tpu.memory_space<vmem>>, %arg9: memref<80x128xf32, #tpu.memory_space<vmem>>, %arg10: memref<10016x128xf32, #tpu.memory_space<vmem_shared>>, %arg11: memref<!tpu.dma_semaphore, #tpu.memory_space<semaphore_mem>>) attributes {dimension_semantics = [#tpu.dimension_semantics<core_parallel>, #tpu.dimension_semantics<subcore_parallel>], iteration_bounds = array<i64: 2, 16>, scalar_prefetch = 0 : i64, scratch_operands = 5 : i64, tpu.core_type = #tpu.core_type<sc_vector_subcore>, window_params = [{transform_indices = #map}, {transform_indices = #map}, {transform_indices = #map1}, {transform_indices = #map}, {transform_indices = #map1}]} {
    %mul3A = arith.constant 2 : i32
    %mul3A_0 = arith.muli %arg1, %mul3A : i32
    %add3A = arith.addi %mul3A_0, %arg0 : i32
    "tpu.region"() ({
      %run_scoped3A = tpu.sem_alloc : memref<!tpu.dma_semaphore, #tpu.memory_space<semaphore_mem>>
      %dma_start3A = arith.constant 0 : i32
      %dma_start3A_46 = tpu.memref_slice %arg3[%add3A, %dma_start3A] : memref<32x10000xi32, #tpu.memory_space<hbm>> -> memref<1x10000xi32, #tpu.memory_space<hbm>>
      %dma_start3A_47 = tpu.memref_squeeze %dma_start3A_46 : memref<1x10000xi32, #tpu.memory_space<hbm>> -> memref<10000xi32, #tpu.memory_space<hbm>>
      %dma_start3A_48 = arith.constant 0 : i32
      %dma_start3A_49 = tpu.memref_slice %arg3[%add3A, %dma_start3A_48] : memref<32x10000xi32, #tpu.memory_space<hbm>> -> memref<1x10000xi32, #tpu.memory_space<hbm>>
      %dma_start3A_50 = tpu.memref_squeeze %dma_start3A_49 : memref<1x10000xi32, #tpu.memory_space<hbm>> -> memref<10000xi32, #tpu.memory_space<hbm>>
      tpu.enqueue_dma source(%dma_start3A_50 : memref<10000xi32, #tpu.memory_space<hbm>>) target(%arg7 : memref<10000xi32, #tpu.memory_space<vmem>>) target_semaphore(%run_scoped3A : memref<!tpu.dma_semaphore, #tpu.memory_space<semaphore_mem>>)
      %dma_wait3A = arith.constant 0 : i32
      %dma_wait3A_51 = tpu.memref_slice %arg3[%add3A, %dma_wait3A] : memref<32x10000xi32, #tpu.memory_space<hbm>> -> memref<1x10000xi32, #tpu.memory_space<hbm>>
      %dma_wait3A_52 = tpu.memref_squeeze %dma_wait3A_51 : memref<1x10000xi32, #tpu.memory_space<hbm>> -> memref<10000xi32, #tpu.memory_space<hbm>>
      %dma_wait3A_53 = arith.constant 0 : i32
      %dma_wait3A_54 = tpu.memref_slice %arg3[%add3A, %dma_wait3A_53] : memref<32x10000xi32, #tpu.memory_space<hbm>> -> memref<1x10000xi32, #tpu.memory_space<hbm>>
      %dma_wait3A_55 = tpu.memref_squeeze %dma_wait3A_54 : memref<1x10000xi32, #tpu.memory_space<hbm>> -> memref<10000xi32, #tpu.memory_space<hbm>>
      tpu.wait_dma2 semaphore(%run_scoped3A : memref<!tpu.dma_semaphore, #tpu.memory_space<semaphore_mem>>) src(%dma_wait3A_55 : memref<10000xi32, #tpu.memory_space<hbm>>) dst(%arg7 : memref<10000xi32, #tpu.memory_space<vmem>>)
      tpu.yield
    }) : () -> ()
    "tpu.region"() ({
      %run_scoped3A = tpu.sem_alloc : memref<!tpu.dma_semaphore, #tpu.memory_space<semaphore_mem>>
      %dma_start3A = arith.constant 0 : i32
      %dma_start3A_46 = arith.constant 0 : i32
      %dma_start3A_47 = tpu.memref_slice %arg4[%add3A, %dma_start3A, %dma_start3A_46] : memref<32x125x80xi32, #tpu.memory_space<hbm>> -> memref<1x125x80xi32, #tpu.memory_space<hbm>>
      %dma_start3A_48 = tpu.memref_squeeze %dma_start3A_47 : memref<1x125x80xi32, #tpu.memory_space<hbm>> -> memref<125x80xi32, #tpu.memory_space<hbm>>
      %dma_start3A_49 = arith.constant 0 : i32
      %dma_start3A_50 = arith.constant 0 : i32
      %dma_start3A_51 = tpu.memref_slice %arg4[%add3A, %dma_start3A_49, %dma_start3A_50] : memref<32x125x80xi32, #tpu.memory_space<hbm>> -> memref<1x125x80xi32, #tpu.memory_space<hbm>>
      %dma_start3A_52 = tpu.memref_squeeze %dma_start3A_51 : memref<1x125x80xi32, #tpu.memory_space<hbm>> -> memref<125x80xi32, #tpu.memory_space<hbm>>
      tpu.enqueue_dma source(%dma_start3A_52 : memref<125x80xi32, #tpu.memory_space<hbm>>) target(%arg8 : memref<125x80xi32, #tpu.memory_space<vmem>>) target_semaphore(%run_scoped3A : memref<!tpu.dma_semaphore, #tpu.memory_space<semaphore_mem>>)
      %dma_wait3A = arith.constant 0 : i32
      %dma_wait3A_53 = arith.constant 0 : i32
      %dma_wait3A_54 = tpu.memref_slice %arg4[%add3A, %dma_wait3A, %dma_wait3A_53] : memref<32x125x80xi32, #tpu.memory_space<hbm>> -> memref<1x125x80xi32, #tpu.memory_space<hbm>>
      %dma_wait3A_55 = tpu.memref_squeeze %dma_wait3A_54 : memref<1x125x80xi32, #tpu.memory_space<hbm>> -> memref<125x80xi32, #tpu.memory_space<hbm>>
      %dma_wait3A_56 = arith.constant 0 : i32
      %dma_wait3A_57 = arith.constant 0 : i32
      %dma_wait3A_58 = tpu.memref_slice %arg4[%add3A, %dma_wait3A_56, %dma_wait3A_57] : memref<32x125x80xi32, #tpu.memory_space<hbm>> -> memref<1x125x80xi32, #tpu.memory_space<hbm>>
      %dma_wait3A_59 = tpu.memref_squeeze %dma_wait3A_58 : memref<1x125x80xi32, #tpu.memory_space<hbm>> -> memref<125x80xi32, #tpu.memory_space<hbm>>
      tpu.wait_dma2 semaphore(%run_scoped3A : memref<!tpu.dma_semaphore, #tpu.memory_space<semaphore_mem>>) src(%dma_wait3A_59 : memref<125x80xi32, #tpu.memory_space<hbm>>) dst(%arg8 : memref<125x80xi32, #tpu.memory_space<vmem>>)
      tpu.yield
    }) : () -> ()
    %mul3A_1 = arith.constant 640 : i32
    %mul3A_2 = arith.muli %arg1, %mul3A_1 : i32
    %eq3A = arith.constant 0 : i32
    %eq3A_3 = arith.cmpi eq, %arg0, %eq3A : i32
    %lt3A = arith.constant 15 : i32
    %lt3A_4 = arith.cmpi slt, %arg1, %lt3A : i32
    %and3A = arith.andi %eq3A_3, %lt3A_4 : i1
    %convert_element_type3A = arith.extui %and3A : i1 to i32
    %cond3A = arith.constant 0 : i32
    %cond3A_5 = arith.cmpi ne, %convert_element_type3A, %cond3A : i32
    scf.if %cond3A_5 {
      "tpu.region"() ({
        %run_scoped3A = tpu.sem_alloc : memref<!tpu.dma_semaphore, #tpu.memory_space<semaphore_mem>>
        %dma_start3A = arith.constant 0 : i32
        %dma_start3A_46 = tpu.memref_slice %arg10[%mul3A_2, %dma_start3A] : memref<10016x128xf32, #tpu.memory_space<vmem_shared>> -> memref<640x128xf32, #tpu.memory_space<vmem_shared>>
        %dma_start3A_47 = arith.constant 0 : i32
        %dma_start3A_48 = tpu.memref_slice %arg2[%mul3A_2, %dma_start3A_47] : memref<10000x128xf32, #tpu.memory_space<hbm>> -> memref<640x128xf32, #tpu.memory_space<hbm>>
        tpu.enqueue_dma source(%dma_start3A_48 : memref<640x128xf32, #tpu.memory_space<hbm>>) target(%dma_start3A_46 : memref<640x128xf32, #tpu.memory_space<vmem_shared>>) target_semaphore(%run_scoped3A : memref<!tpu.dma_semaphore, #tpu.memory_space<semaphore_mem>>)
        %dma_wait3A = arith.constant 0 : i32
        %dma_wait3A_49 = tpu.memref_slice %arg10[%mul3A_2, %dma_wait3A] : memref<10016x128xf32, #tpu.memory_space<vmem_shared>> -> memref<640x128xf32, #tpu.memory_space<vmem_shared>>
        %dma_wait3A_50 = arith.constant 0 : i32
        %dma_wait3A_51 = tpu.memref_slice %arg2[%mul3A_2, %dma_wait3A_50] : memref<10000x128xf32, #tpu.memory_space<hbm>> -> memref<640x128xf32, #tpu.memory_space<hbm>>
        tpu.wait_dma2 semaphore(%run_scoped3A : memref<!tpu.dma_semaphore, #tpu.memory_space<semaphore_mem>>) src(%dma_wait3A_51 : memref<640x128xf32, #tpu.memory_space<hbm>>) dst(%dma_wait3A_49 : memref<640x128xf32, #tpu.memory_space<vmem_shared>>)
        tpu.yield
      }) : () -> ()
    } else {
    }
    %eq3A_6 = arith.constant 0 : i32
    %eq3A_7 = arith.cmpi eq, %arg0, %eq3A_6 : i32
    %eq3A_8 = arith.constant 15 : i32
    %eq3A_9 = arith.cmpi eq, %arg1, %eq3A_8 : i32
    %and3A_10 = arith.andi %eq3A_7, %eq3A_9 : i1
    %convert_element_type3A_11 = arith.extui %and3A_10 : i1 to i32
    %cond3A_12 = arith.constant 0 : i32
    %cond3A_13 = arith.cmpi ne, %convert_element_type3A_11, %cond3A_12 : i32
    scf.if %cond3A_13 {
      "tpu.region"() ({
        %run_scoped3A = tpu.sem_alloc : memref<!tpu.dma_semaphore, #tpu.memory_space<semaphore_mem>>
        %dma_start3A = arith.constant 9600 : i32
        %dma_start3A_46 = arith.constant 0 : i32
        %dma_start3A_47 = tpu.memref_slice %arg10[%dma_start3A, %dma_start3A_46] : memref<10016x128xf32, #tpu.memory_space<vmem_shared>> -> memref<400x128xf32, #tpu.memory_space<vmem_shared>>
        %dma_start3A_48 = arith.constant 9600 : i32
        %dma_start3A_49 = arith.constant 0 : i32
        %dma_start3A_50 = tpu.memref_slice %arg2[%dma_start3A_48, %dma_start3A_49] : memref<10000x128xf32, #tpu.memory_space<hbm>> -> memref<400x128xf32, #tpu.memory_space<hbm>>
        tpu.enqueue_dma source(%dma_start3A_50 : memref<400x128xf32, #tpu.memory_space<hbm>>) target(%dma_start3A_47 : memref<400x128xf32, #tpu.memory_space<vmem_shared>>) target_semaphore(%run_scoped3A : memref<!tpu.dma_semaphore, #tpu.memory_space<semaphore_mem>>)
        %dma_wait3A = arith.constant 9600 : i32
        %dma_wait3A_51 = arith.constant 0 : i32
        %dma_wait3A_52 = tpu.memref_slice %arg10[%dma_wait3A, %dma_wait3A_51] : memref<10016x128xf32, #tpu.memory_space<vmem_shared>> -> memref<400x128xf32, #tpu.memory_space<vmem_shared>>
        %dma_wait3A_53 = arith.constant 9600 : i32
        %dma_wait3A_54 = arith.constant 0 : i32
        %dma_wait3A_55 = tpu.memref_slice %arg2[%dma_wait3A_53, %dma_wait3A_54] : memref<10000x128xf32, #tpu.memory_space<hbm>> -> memref<400x128xf32, #tpu.memory_space<hbm>>
        tpu.wait_dma2 semaphore(%run_scoped3A : memref<!tpu.dma_semaphore, #tpu.memory_space<semaphore_mem>>) src(%dma_wait3A_55 : memref<400x128xf32, #tpu.memory_space<hbm>>) dst(%dma_wait3A_52 : memref<400x128xf32, #tpu.memory_space<vmem_shared>>)
        tpu.yield
      }) : () -> ()
    } else {
    }
    %eq3A_14 = arith.constant 1 : i32
    %eq3A_15 = arith.cmpi eq, %arg0, %eq3A_14 : i32
    %lt3A_16 = arith.constant 15 : i32
    %lt3A_17 = arith.cmpi slt, %arg1, %lt3A_16 : i32
    %and3A_18 = arith.andi %eq3A_15, %lt3A_17 : i1
    %convert_element_type3A_19 = arith.extui %and3A_18 : i1 to i32
    %cond3A_20 = arith.constant 0 : i32
    %cond3A_21 = arith.cmpi ne, %convert_element_type3A_19, %cond3A_20 : i32
    scf.if %cond3A_21 {
      "tpu.region"() ({
        %run_scoped3A = tpu.sem_alloc : memref<!tpu.dma_semaphore, #tpu.memory_space<semaphore_mem>>
        %dma_start3A = arith.constant 0 : i32
        %dma_start3A_46 = tpu.memref_slice %arg10[%mul3A_2, %dma_start3A] : memref<10016x128xf32, #tpu.memory_space<vmem_shared>> -> memref<640x128xf32, #tpu.memory_space<vmem_shared>>
        tpu.enqueue_dma source(%arg5 : memref<640x128xf32, #tpu.memory_space<hbm>>) target(%dma_start3A_46 : memref<640x128xf32, #tpu.memory_space<vmem_shared>>) target_semaphore(%run_scoped3A : memref<!tpu.dma_semaphore, #tpu.memory_space<semaphore_mem>>)
        %dma_wait3A = arith.constant 0 : i32
        %dma_wait3A_47 = tpu.memref_slice %arg10[%mul3A_2, %dma_wait3A] : memref<10016x128xf32, #tpu.memory_space<vmem_shared>> -> memref<640x128xf32, #tpu.memory_space<vmem_shared>>
        tpu.wait_dma2 semaphore(%run_scoped3A : memref<!tpu.dma_semaphore, #tpu.memory_space<semaphore_mem>>) src(%arg5 : memref<640x128xf32, #tpu.memory_space<hbm>>) dst(%dma_wait3A_47 : memref<640x128xf32, #tpu.memory_space<vmem_shared>>)
        tpu.yield
      }) : () -> ()
    } else {
    }
    %eq3A_22 = arith.constant 1 : i32
    %eq3A_23 = arith.cmpi eq, %arg0, %eq3A_22 : i32
    %eq3A_24 = arith.constant 15 : i32
    %eq3A_25 = arith.cmpi eq, %arg1, %eq3A_24 : i32
    %and3A_26 = arith.andi %eq3A_23, %eq3A_25 : i1
    %convert_element_type3A_27 = arith.extui %and3A_26 : i1 to i32
    %cond3A_28 = arith.constant 0 : i32
    %cond3A_29 = arith.cmpi ne, %convert_element_type3A_27, %cond3A_28 : i32
    scf.if %cond3A_29 {
      "tpu.region"() ({
        %run_scoped3A = tpu.sem_alloc : memref<!tpu.dma_semaphore, #tpu.memory_space<semaphore_mem>>
        %dma_start3A = arith.constant 9600 : i32
        %dma_start3A_46 = arith.constant 0 : i32
        %dma_start3A_47 = tpu.memref_slice %arg10[%dma_start3A, %dma_start3A_46] : memref<10016x128xf32, #tpu.memory_space<vmem_shared>> -> memref<400x128xf32, #tpu.memory_space<vmem_shared>>
        %dma_start3A_48 = arith.constant 0 : i32
        %dma_start3A_49 = arith.constant 0 : i32
        %dma_start3A_50 = tpu.memref_slice %arg5[%dma_start3A_48, %dma_start3A_49] : memref<640x128xf32, #tpu.memory_space<hbm>> -> memref<400x128xf32, #tpu.memory_space<hbm>>
        tpu.enqueue_dma source(%dma_start3A_50 : memref<400x128xf32, #tpu.memory_space<hbm>>) target(%dma_start3A_47 : memref<400x128xf32, #tpu.memory_space<vmem_shared>>) target_semaphore(%run_scoped3A : memref<!tpu.dma_semaphore, #tpu.memory_space<semaphore_mem>>)
        %dma_wait3A = arith.constant 9600 : i32
        %dma_wait3A_51 = arith.constant 0 : i32
        %dma_wait3A_52 = tpu.memref_slice %arg10[%dma_wait3A, %dma_wait3A_51] : memref<10016x128xf32, #tpu.memory_space<vmem_shared>> -> memref<400x128xf32, #tpu.memory_space<vmem_shared>>
        %dma_wait3A_53 = arith.constant 0 : i32
        %dma_wait3A_54 = arith.constant 0 : i32
        %dma_wait3A_55 = tpu.memref_slice %arg5[%dma_wait3A_53, %dma_wait3A_54] : memref<640x128xf32, #tpu.memory_space<hbm>> -> memref<400x128xf32, #tpu.memory_space<hbm>>
        tpu.wait_dma2 semaphore(%run_scoped3A : memref<!tpu.dma_semaphore, #tpu.memory_space<semaphore_mem>>) src(%dma_wait3A_55 : memref<400x128xf32, #tpu.memory_space<hbm>>) dst(%dma_wait3A_52 : memref<400x128xf32, #tpu.memory_space<vmem_shared>>)
        tpu.yield
      }) : () -> ()
    } else {
    }
    %barrier3A = arith.constant 0 : index
    tpu.barrier barrier_id(%barrier3A)
    %scan3A = arith.constant 0 : i32
    %scan3A_30 = arith.constant 0 : i32
    %scan3A_31 = arith.constant 125 : i32
    %scan3A_32 = arith.addi %scan3A_30, %scan3A_31 : i32
    %scan3A_33 = arith.constant 1 : i32
    scf.for %scan3A_46 = %scan3A_30 to %scan3A_32 step %scan3A_33  : i32 {
      %mul3A_47 = arith.constant 80 : i32
      %mul3A_48 = arith.muli %scan3A_46, %mul3A_47 : i32
      %dma_start3A = tpu.memref_slice %arg7[%mul3A_48] : memref<10000xi32, #tpu.memory_space<vmem>> -> memref<80xi32, #tpu.memory_space<vmem>>
      %dma_start3A_49 = arith.constant 0 : i32
      %dma_start3A_50 = arith.constant 0 : i32
      %dma_start3A_51 = tpu.memref_slice %arg2[%dma_start3A_49, %dma_start3A_50] : memref<10000x128xf32, #tpu.memory_space<hbm>> -> memref<10000x128xf32, #tpu.memory_space<hbm>>
      tpu.enqueue_indirect_dma source(%dma_start3A_51 : memref<10000x128xf32, #tpu.memory_space<hbm>>) target(%arg9 : memref<80x128xf32, #tpu.memory_space<vmem>>) offsets(%dma_start3A : memref<80xi32, #tpu.memory_space<vmem>>) semaphore(%arg11 : memref<!tpu.dma_semaphore, #tpu.memory_space<semaphore_mem>>)
      %dma_wait3A = tpu.memref_slice %arg7[%mul3A_48] : memref<10000xi32, #tpu.memory_space<vmem>> -> memref<80xi32, #tpu.memory_space<vmem>>
      %dma_wait3A_52 = arith.constant 0 : i32
      %dma_wait3A_53 = arith.constant 0 : i32
      %dma_wait3A_54 = tpu.memref_slice %arg2[%dma_wait3A_52, %dma_wait3A_53] : memref<10000x128xf32, #tpu.memory_space<hbm>> -> memref<10000x128xf32, #tpu.memory_space<hbm>>
      tpu.wait_indirect_dma semaphore(%arg11 : memref<!tpu.dma_semaphore, #tpu.memory_space<semaphore_mem>>) src(%dma_wait3A_54 : memref<10000x128xf32, #tpu.memory_space<hbm>>) dst(%arg9 : memref<80x128xf32, #tpu.memory_space<vmem>>)
      "tpu.region"() ({
        %run_scoped3A = tpu.sem_alloc : memref<!tpu.dma_semaphore, #tpu.memory_space<semaphore_mem>>
        %dma_start3A_55 = arith.constant 0 : i32
        %dma_start3A_56 = tpu.memref_slice %arg8[%scan3A_46, %dma_start3A_55] : memref<125x80xi32, #tpu.memory_space<vmem>> -> memref<1x80xi32, #tpu.memory_space<vmem>>
        %dma_start3A_57 = tpu.memref_squeeze %dma_start3A_56 : memref<1x80xi32, #tpu.memory_space<vmem>> -> memref<80xi32, #tpu.memory_space<vmem>>
        %dma_start3A_58 = arith.constant 0 : i32
        %dma_start3A_59 = arith.constant 0 : i32
        %dma_start3A_60 = tpu.memref_slice %arg10[%dma_start3A_58, %dma_start3A_59] : memref<10016x128xf32, #tpu.memory_space<vmem_shared>> -> memref<10016x128xf32, #tpu.memory_space<vmem_shared>>
        tpu.enqueue_indirect_dma source(%arg9 : memref<80x128xf32, #tpu.memory_space<vmem>>) target(%dma_start3A_60 : memref<10016x128xf32, #tpu.memory_space<vmem_shared>>) offsets(%dma_start3A_57 : memref<80xi32, #tpu.memory_space<vmem>>) semaphore(%run_scoped3A : memref<!tpu.dma_semaphore, #tpu.memory_space<semaphore_mem>>) {add = true}
        %dma_wait3A_61 = arith.constant 0 : i32
        %dma_wait3A_62 = tpu.memref_slice %arg8[%scan3A_46, %dma_wait3A_61] : memref<125x80xi32, #tpu.memory_space<vmem>> -> memref<1x80xi32, #tpu.memory_space<vmem>>
        %dma_wait3A_63 = tpu.memref_squeeze %dma_wait3A_62 : memref<1x80xi32, #tpu.memory_space<vmem>> -> memref<80xi32, #tpu.memory_space<vmem>>
        %dma_wait3A_64 = arith.constant 0 : i32
        %dma_wait3A_65 = arith.constant 0 : i32
        %dma_wait3A_66 = tpu.memref_slice %arg10[%dma_wait3A_64, %dma_wait3A_65] : memref<10016x128xf32, #tpu.memory_space<vmem_shared>> -> memref<10016x128xf32, #tpu.memory_space<vmem_shared>>
        tpu.wait_indirect_dma semaphore(%run_scoped3A : memref<!tpu.dma_semaphore, #tpu.memory_space<semaphore_mem>>) src(%arg9 : memref<80x128xf32, #tpu.memory_space<vmem>>) dst(%dma_wait3A_66 : memref<10016x128xf32, #tpu.memory_space<vmem_shared>>)
        tpu.yield
      }) : () -> ()
    }
    %scan3A_34 = arith.constant 125 : i32
    %barrier3A_35 = arith.constant 0 : index
    tpu.barrier barrier_id(%barrier3A_35)
    %lt3A_36 = arith.constant 15 : i32
    %lt3A_37 = arith.cmpi slt, %arg1, %lt3A_36 : i32
    %convert_element_type3A_38 = arith.extui %lt3A_37 : i1 to i32
    %cond3A_39 = arith.constant 0 : i32
    %cond3A_40 = arith.cmpi ne, %convert_element_type3A_38, %cond3A_39 : i32
    scf.if %cond3A_40 {
      "tpu.region"() ({
        %run_scoped3A = tpu.sem_alloc : memref<!tpu.dma_semaphore, #tpu.memory_space<semaphore_mem>>
        %dma_start3A = arith.constant 0 : i32
        %dma_start3A_46 = tpu.memref_slice %arg6[%arg0, %mul3A_2, %dma_start3A] : memref<2x10000x128xf32, #tpu.memory_space<hbm>> -> memref<1x640x128xf32, #tpu.memory_space<hbm>>
        %dma_start3A_47 = tpu.memref_squeeze %dma_start3A_46 : memref<1x640x128xf32, #tpu.memory_space<hbm>> -> memref<640x128xf32, #tpu.memory_space<hbm>>
        %dma_start3A_48 = arith.constant 0 : i32
        %dma_start3A_49 = tpu.memref_slice %arg10[%mul3A_2, %dma_start3A_48] : memref<10016x128xf32, #tpu.memory_space<vmem_shared>> -> memref<640x128xf32, #tpu.memory_space<vmem_shared>>
        tpu.enqueue_dma source(%dma_start3A_49 : memref<640x128xf32, #tpu.memory_space<vmem_shared>>) target(%dma_start3A_47 : memref<640x128xf32, #tpu.memory_space<hbm>>) target_semaphore(%run_scoped3A : memref<!tpu.dma_semaphore, #tpu.memory_space<semaphore_mem>>)
        %dma_wait3A = arith.constant 0 : i32
        %dma_wait3A_50 = tpu.memref_slice %arg6[%arg0, %mul3A_2, %dma_wait3A] : memref<2x10000x128xf32, #tpu.memory_space<hbm>> -> memref<1x640x128xf32, #tpu.memory_space<hbm>>
        %dma_wait3A_51 = tpu.memref_squeeze %dma_wait3A_50 : memref<1x640x128xf32, #tpu.memory_space<hbm>> -> memref<640x128xf32, #tpu.memory_space<hbm>>
        %dma_wait3A_52 = arith.constant 0 : i32
        %dma_wait3A_53 = tpu.memref_slice %arg10[%mul3A_2, %dma_wait3A_52] : memref<10016x128xf32, #tpu.memory_space<vmem_shared>> -> memref<640x128xf32, #tpu.memory_space<vmem_shared>>
        tpu.wait_dma2 semaphore(%run_scoped3A : memref<!tpu.dma_semaphore, #tpu.memory_space<semaphore_mem>>) src(%dma_wait3A_53 : memref<640x128xf32, #tpu.memory_space<vmem_shared>>) dst(%dma_wait3A_51 : memref<640x128xf32, #tpu.memory_space<hbm>>)
        tpu.yield
      }) : () -> ()
    } else {
    }
    %eq3A_41 = arith.constant 15 : i32
    %eq3A_42 = arith.cmpi eq, %arg1, %eq3A_41 : i32
    %convert_element_type3A_43 = arith.extui %eq3A_42 : i1 to i32
    %cond3A_44 = arith.constant 0 : i32
    %cond3A_45 = arith.cmpi ne, %convert_element_type3A_43, %cond3A_44 : i32
    scf.if %cond3A_45 {
      "tpu.region"() ({
        %run_scoped3A = tpu.sem_alloc : memref<!tpu.dma_semaphore, #tpu.memory_space<semaphore_mem>>
        %dma_start3A = arith.constant 9600 : i32
        %dma_start3A_46 = arith.constant 0 : i32
        %dma_start3A_47 = tpu.memref_slice %arg6[%arg0, %dma_start3A, %dma_start3A_46] : memref<2x10000x128xf32, #tpu.memory_space<hbm>> -> memref<1x400x128xf32, #tpu.memory_space<hbm>>
        %dma_start3A_48 = tpu.memref_squeeze %dma_start3A_47 : memref<1x400x128xf32, #tpu.memory_space<hbm>> -> memref<400x128xf32, #tpu.memory_space<hbm>>
        %dma_start3A_49 = arith.constant 9600 : i32
        %dma_start3A_50 = arith.constant 0 : i32
        %dma_start3A_51 = tpu.memref_slice %arg10[%dma_start3A_49, %dma_start3A_50] : memref<10016x128xf32, #tpu.memory_space<vmem_shared>> -> memref<400x128xf32, #tpu.memory_space<vmem_shared>>
        tpu.enqueue_dma source(%dma_start3A_51 : memref<400x128xf32, #tpu.memory_space<vmem_shared>>) target(%dma_start3A_48 : memref<400x128xf32, #tpu.memory_space<hbm>>) target_semaphore(%run_scoped3A : memref<!tpu.dma_semaphore, #tpu.memory_space<semaphore_mem>>)
        %dma_wait3A = arith.constant 9600 : i32
        %dma_wait3A_52 = arith.constant 0 : i32
        %dma_wait3A_53 = tpu.memref_slice %arg6[%arg0, %dma_wait3A, %dma_wait3A_52] : memref<2x10000x128xf32, #tpu.memory_space<hbm>> -> memref<1x400x128xf32, #tpu.memory_space<hbm>>
        %dma_wait3A_54 = tpu.memref_squeeze %dma_wait3A_53 : memref<1x400x128xf32, #tpu.memory_space<hbm>> -> memref<400x128xf32, #tpu.memory_space<hbm>>
        %dma_wait3A_55 = arith.constant 9600 : i32
        %dma_wait3A_56 = arith.constant 0 : i32
        %dma_wait3A_57 = tpu.memref_slice %arg10[%dma_wait3A_55, %dma_wait3A_56] : memref<10016x128xf32, #tpu.memory_space<vmem_shared>> -> memref<400x128xf32, #tpu.memory_space<vmem_shared>>
        tpu.wait_dma2 semaphore(%run_scoped3A : memref<!tpu.dma_semaphore, #tpu.memory_space<semaphore_mem>>) src(%dma_wait3A_57 : memref<400x128xf32, #tpu.memory_space<vmem_shared>>) dst(%dma_wait3A_54 : memref<400x128xf32, #tpu.memory_space<hbm>>)
        tpu.yield
      }) : () -> ()
    } else {
    }
    return
  }
}

module attributes {stable_mosaic.version = 14 : i64} {
  func.func @body(%arg0: i32, %arg1: memref<2x2000x128xf32, #tpu.memory_space<vmem>>, %arg2: memref<128x128xf32, #tpu.memory_space<vmem>>, %arg3: memref<1x128xf32, #tpu.memory_space<vmem>>, %arg4: memref<1x128xf32, #tpu.memory_space<vmem>>, %arg5: memref<1x128xf32, #tpu.memory_space<vmem>>, %arg6: memref<128x128xf32, #tpu.memory_space<vmem>>, %arg7: memref<1x128xf32, #tpu.memory_space<vmem>>, %arg8: memref<128x1xf32, #tpu.memory_space<vmem>>, %arg9: memref<1x1xf32, #tpu.memory_space<vmem>>, %arg10: memref<10000x1xi32, #tpu.memory_space<vmem>>, %arg11: memref<1x128xf32, #tpu.memory_space<vmem>>, %arg12: memref<1x128xf32, #tpu.memory_space<vmem>>, %arg13: memref<128x10xf32, #tpu.memory_space<vmem>>, %arg14: memref<1x10xf32, #tpu.memory_space<vmem>>, %arg15: memref<64x10xf32, #tpu.memory_space<vmem>>, %arg16: memref<10000x128xf32, #tpu.memory_space<vmem>>, %arg17: memref<10000x128xf32, #tpu.memory_space<vmem>>, %arg18: memref<8x128xf32, #tpu.memory_space<vmem>>) attributes {dimension_semantics = [#tpu.dimension_semantics<arbitrary>], iteration_bounds = array<i64: 11>, scalar_prefetch = 0 : i64, scratch_operands = 3 : i64, tpu.core_type = #tpu.core_type<tc>, window_params = [{transform_indices = @transform_0, window_bounds = array<i64: 2, 2000, 128>}, {pipeline_mode = #tpu.pipeline_mode<synchronous>, transform_indices = @transform_1, window_bounds = array<i64: 128, 128>}, {pipeline_mode = #tpu.pipeline_mode<synchronous>, transform_indices = @transform_2, window_bounds = array<i64: 1, 128>}, {pipeline_mode = #tpu.pipeline_mode<synchronous>, transform_indices = @transform_3, window_bounds = array<i64: 1, 128>}, {pipeline_mode = #tpu.pipeline_mode<synchronous>, transform_indices = @transform_4, window_bounds = array<i64: 1, 128>}, {pipeline_mode = #tpu.pipeline_mode<synchronous>, transform_indices = @transform_5, window_bounds = array<i64: 128, 128>}, {pipeline_mode = #tpu.pipeline_mode<synchronous>, transform_indices = @transform_6, window_bounds = array<i64: 1, 128>}, {pipeline_mode = #tpu.pipeline_mode<synchronous>, transform_indices = @transform_7, window_bounds = array<i64: 128, 1>}, {pipeline_mode = #tpu.pipeline_mode<synchronous>, transform_indices = @transform_8, window_bounds = array<i64: 1, 1>}, {pipeline_mode = #tpu.pipeline_mode<synchronous>, transform_indices = @transform_9, window_bounds = array<i64: 10000, 1>}, {pipeline_mode = #tpu.pipeline_mode<synchronous>, transform_indices = @transform_10, window_bounds = array<i64: 1, 128>}, {pipeline_mode = #tpu.pipeline_mode<synchronous>, transform_indices = @transform_11, window_bounds = array<i64: 1, 128>}, {pipeline_mode = #tpu.pipeline_mode<synchronous>, transform_indices = @transform_12, window_bounds = array<i64: 128, 10>}, {pipeline_mode = #tpu.pipeline_mode<synchronous>, transform_indices = @transform_13, window_bounds = array<i64: 1, 10>}, {pipeline_mode = #tpu.pipeline_mode<synchronous>, transform_indices = @transform_14, window_bounds = array<i64: 64, 10>}]} {
    %lt3A = arith.constant 5 : i32
    %lt3A_0 = arith.cmpi slt, %arg0, %lt3A : i32
    %convert_element_type3A = arith.extui %lt3A_0 : i1 to i32
    %cond3A = arith.constant 0 : i32
    %cond3A_1 = arith.cmpi ne, %convert_element_type3A, %cond3A : i32
    scf.if %cond3A_1 {
      %get3A = arith.constant 0 : index
      %get3A_12 = arith.constant 0 : index
      %get3A_13 = arith.constant 0 : index
      %get3A_14 = vector.load %arg1[%get3A, %get3A_12, %get3A_13] : memref<2x2000x128xf32, #tpu.memory_space<vmem>>, vector<1x2000x128xf32>
      %get3A_15 = vector.shape_cast %get3A_14 : vector<1x2000x128xf32> to vector<2000x128xf32>
      %get3A_16 = arith.constant 1 : index
      %get3A_17 = arith.constant 0 : index
      %get3A_18 = arith.constant 0 : index
      %get3A_19 = vector.load %arg1[%get3A_16, %get3A_17, %get3A_18] : memref<2x2000x128xf32, #tpu.memory_space<vmem>>, vector<1x2000x128xf32>
      %get3A_20 = vector.shape_cast %get3A_19 : vector<1x2000x128xf32> to vector<2000x128xf32>
      %add3A = arith.addf %get3A_15, %get3A_20 : vector<2000x128xf32>
      %get3A_21 = arith.constant 0 : index
      %get3A_22 = arith.constant 0 : index
      %get3A_23 = vector.load %arg2[%get3A_21, %get3A_22] : memref<128x128xf32, #tpu.memory_space<vmem>>, vector<128x128xf32>
      %dot_general3A = arith.constant dense<0.000000e+00> : vector<2000x128xf32>
      %dot_general3A_24 = tpu.matmul %add3A, %get3A_23, %dot_general3A {dimension_numbers = #tpu.dot_dimension_numbers<[1], [0], [0], [1], [0, 0, 1, 1], [], []>, transpose_lhs_hint = false} : vector<2000x128xf32>, vector<128x128xf32>, vector<2000x128xf32> -> vector<2000x128xf32>
      %get3A_25 = arith.constant 0 : index
      %get3A_26 = arith.constant 0 : index
      %get3A_27 = vector.load %arg3[%get3A_25, %get3A_26] : memref<1x128xf32, #tpu.memory_space<vmem>>, vector<1x128xf32>
      %add3A_28 = vector.broadcast %get3A_27 : vector<1x128xf32> to vector<2000x128xf32>
      %add3A_29 = arith.addf %dot_general3A_24, %add3A_28 : vector<2000x128xf32>
      %mul3A = arith.constant 2000 : i32
      %mul3A_30 = arith.muli %arg0, %mul3A : i32
      %swap3A = arith.index_cast %mul3A_30 : i32 to index
      %swap3A_31 = arith.constant 0 : index
      %swap3A_32 = vector.load %arg16[%swap3A, %swap3A_31] : memref<10000x128xf32, #tpu.memory_space<vmem>>, vector<2000x128xf32>
      tpu.vector_store %arg16[%swap3A, %swap3A_31], %add3A_29 {strides = array<i32>} : memref<10000x128xf32, #tpu.memory_space<vmem>>, vector<2000x128xf32>,
      %eq3A_33 = arith.constant 0 : i32
      %eq3A_34 = arith.cmpi eq, %arg0, %eq3A_33 : i32
      %convert_element_type3A_35 = arith.extui %eq3A_34 : i1 to i32
      %cond3A_36 = arith.constant 0 : i32
      %cond3A_37 = arith.cmpi ne, %convert_element_type3A_35, %cond3A_36 : i32
      scf.if %cond3A_37 {
        %broadcast_in_dim3A_57 = arith.constant 0.000000e+00 : f32
        %broadcast_in_dim3A_58 = vector.broadcast %broadcast_in_dim3A_57 : f32 to vector<8x128xf32>
        %swap3A_59 = arith.constant 0 : index
        %swap3A_60 = arith.constant 0 : index
        %swap3A_61 = vector.load %arg18[%swap3A_59, %swap3A_60] : memref<8x128xf32, #tpu.memory_space<vmem>>, vector<8x128xf32>
        tpu.vector_store %arg18[%swap3A_59, %swap3A_60], %broadcast_in_dim3A_58 {strides = array<i32>} : memref<8x128xf32, #tpu.memory_space<vmem>>, vector<8x128xf32>,
      } else {
      }
      %get3A_38 = arith.constant 0 : index
      %get3A_39 = arith.constant 0 : index
      %get3A_40 = vector.load %arg18[%get3A_38, %get3A_39] : memref<8x128xf32, #tpu.memory_space<vmem>>, vector<1x128xf32>
      %reduce_sum3A = arith.constant dense<0.000000e+00> : vector<128xf32>
      %reduce_sum3A_41 = vector.multi_reduction <add>, %add3A_29, %reduce_sum3A [0] : vector<2000x128xf32> to vector<128xf32>
      %broadcast_in_dim3A = vector.shape_cast %reduce_sum3A_41 : vector<128xf32> to vector<1x128xf32>
      %add3A_42 = arith.addf %get3A_40, %broadcast_in_dim3A : vector<1x128xf32>
      %swap3A_43 = arith.constant 0 : index
      %swap3A_44 = arith.constant 0 : index
      %swap3A_45 = vector.load %arg18[%swap3A_43, %swap3A_44] : memref<8x128xf32, #tpu.memory_space<vmem>>, vector<1x128xf32>
      tpu.vector_store %arg18[%swap3A_43, %swap3A_44], %add3A_42 {strides = array<i32>} : memref<8x128xf32, #tpu.memory_space<vmem>>, vector<1x128xf32>,
      %get3A_46 = arith.constant 1 : index
      %get3A_47 = arith.constant 0 : index
      %get3A_48 = vector.load %arg18[%get3A_46, %get3A_47] : memref<8x128xf32, #tpu.memory_space<vmem>>, vector<1x128xf32>
      %mul3A_49 = arith.mulf %add3A_29, %add3A_29 : vector<2000x128xf32>
      %reduce_sum3A_50 = arith.constant dense<0.000000e+00> : vector<128xf32>
      %reduce_sum3A_51 = vector.multi_reduction <add>, %mul3A_49, %reduce_sum3A_50 [0] : vector<2000x128xf32> to vector<128xf32>
      %broadcast_in_dim3A_52 = vector.shape_cast %reduce_sum3A_51 : vector<128xf32> to vector<1x128xf32>
      %add3A_53 = arith.addf %get3A_48, %broadcast_in_dim3A_52 : vector<1x128xf32>
      %swap3A_54 = arith.constant 1 : index
      %swap3A_55 = arith.constant 0 : index
      %swap3A_56 = vector.load %arg18[%swap3A_54, %swap3A_55] : memref<8x128xf32, #tpu.memory_space<vmem>>, vector<1x128xf32>
      tpu.vector_store %arg18[%swap3A_54, %swap3A_55], %add3A_53 {strides = array<i32>} : memref<8x128xf32, #tpu.memory_space<vmem>>, vector<1x128xf32>,
    } else {
    }
    %ge3A = arith.constant 5 : i32
    %ge3A_2 = arith.cmpi sge, %arg0, %ge3A : i32
    %lt3A_3 = arith.constant 10 : i32
    %lt3A_4 = arith.cmpi slt, %arg0, %lt3A_3 : i32
    %and3A = arith.andi %ge3A_2, %lt3A_4 : i1
    %convert_element_type3A_5 = arith.extui %and3A : i1 to i32
    %cond3A_6 = arith.constant 0 : i32
    %cond3A_7 = arith.cmpi ne, %convert_element_type3A_5, %cond3A_6 : i32
    scf.if %cond3A_7 {
      %sub3A = arith.constant 5 : i32
      %sub3A_12 = arith.subi %arg0, %sub3A : i32
      %get3A = arith.constant 0 : index
      %get3A_13 = arith.constant 0 : index
      %get3A_14 = vector.load %arg18[%get3A, %get3A_13] : memref<8x128xf32, #tpu.memory_space<vmem>>, vector<1x128xf32>
      %div3A = arith.constant 1.000000e+04 : f32
      %div3A_15 = vector.broadcast %div3A : f32 to vector<1x128xf32>
      %div3A_16 = arith.divf %get3A_14, %div3A_15 : vector<1x128xf32>
      %get3A_17 = arith.constant 1 : index
      %get3A_18 = arith.constant 0 : index
      %get3A_19 = vector.load %arg18[%get3A_17, %get3A_18] : memref<8x128xf32, #tpu.memory_space<vmem>>, vector<1x128xf32>
      %div3A_20 = arith.constant 1.000000e+04 : f32
      %div3A_21 = vector.broadcast %div3A_20 : f32 to vector<1x128xf32>
      %div3A_22 = arith.divf %get3A_19, %div3A_21 : vector<1x128xf32>
      %mul3A = arith.mulf %div3A_16, %div3A_16 : vector<1x128xf32>
      %sub3A_23 = arith.subf %div3A_22, %mul3A : vector<1x128xf32>
      %get3A_24 = arith.constant 0 : index
      %get3A_25 = arith.constant 0 : index
      %get3A_26 = vector.load %arg4[%get3A_24, %get3A_25] : memref<1x128xf32, #tpu.memory_space<vmem>>, vector<1x128xf32>
      %add3A = arith.constant 9.99999974E-6 : f32
      %add3A_27 = vector.broadcast %add3A : f32 to vector<1x128xf32>
      %add3A_28 = arith.addf %sub3A_23, %add3A_27 : vector<1x128xf32>
      %rsqrt3A = math.rsqrt %add3A_28 : vector<1x128xf32>
      %mul3A_29 = arith.mulf %get3A_26, %rsqrt3A : vector<1x128xf32>
      %get3A_30 = arith.constant 0 : index
      %get3A_31 = arith.constant 0 : index
      %get3A_32 = vector.load %arg5[%get3A_30, %get3A_31] : memref<1x128xf32, #tpu.memory_space<vmem>>, vector<1x128xf32>
      %mul3A_33 = arith.mulf %div3A_16, %mul3A_29 : vector<1x128xf32>
      %sub3A_34 = arith.subf %get3A_32, %mul3A_33 : vector<1x128xf32>
      %mul3A_35 = arith.constant 2000 : i32
      %mul3A_36 = arith.muli %sub3A_12, %mul3A_35 : i32
      %get3A_37 = arith.index_cast %mul3A_36 : i32 to index
      %get3A_38 = arith.constant 0 : index
      %get3A_39 = vector.load %arg16[%get3A_37, %get3A_38] : memref<10000x128xf32, #tpu.memory_space<vmem>>, vector<2000x128xf32>
      %mul3A_40 = vector.broadcast %mul3A_29 : vector<1x128xf32> to vector<2000x128xf32>
      %mul3A_41 = arith.mulf %get3A_39, %mul3A_40 : vector<2000x128xf32>
      %add3A_42 = vector.broadcast %sub3A_34 : vector<1x128xf32> to vector<2000x128xf32>
      %add3A_43 = arith.addf %mul3A_41, %add3A_42 : vector<2000x128xf32>
      %max3A = arith.constant 0.000000e+00 : f32
      %max3A_44 = vector.broadcast %max3A : f32 to vector<2000x128xf32>
      %max3A_45 = arith.maximumf %add3A_43, %max3A_44 : vector<2000x128xf32>
      %get3A_46 = arith.constant 0 : index
      %get3A_47 = arith.constant 0 : index
      %get3A_48 = vector.load %arg6[%get3A_46, %get3A_47] : memref<128x128xf32, #tpu.memory_space<vmem>>, vector<128x128xf32>
      %dot_general3A = arith.constant dense<0.000000e+00> : vector<2000x128xf32>
      %dot_general3A_49 = tpu.matmul %max3A_45, %get3A_48, %dot_general3A {dimension_numbers = #tpu.dot_dimension_numbers<[1], [0], [0], [1], [0, 0, 1, 1], [], []>, transpose_lhs_hint = false} : vector<2000x128xf32>, vector<128x128xf32>, vector<2000x128xf32> -> vector<2000x128xf32>
      %get3A_50 = arith.constant 0 : index
      %get3A_51 = arith.constant 0 : index
      %get3A_52 = vector.load %arg7[%get3A_50, %get3A_51] : memref<1x128xf32, #tpu.memory_space<vmem>>, vector<1x128xf32>
      %add3A_53 = vector.broadcast %get3A_52 : vector<1x128xf32> to vector<2000x128xf32>
      %add3A_54 = arith.addf %dot_general3A_49, %add3A_53 : vector<2000x128xf32>
      %max3A_55 = arith.constant 0.000000e+00 : f32
      %max3A_56 = vector.broadcast %max3A_55 : f32 to vector<2000x128xf32>
      %max3A_57 = arith.maximumf %add3A_54, %max3A_56 : vector<2000x128xf32>
      %mul3A_58 = arith.constant 2000 : i32
      %mul3A_59 = arith.muli %sub3A_12, %mul3A_58 : i32
      %swap3A = arith.index_cast %mul3A_59 : i32 to index
      %swap3A_60 = arith.constant 0 : index
      %swap3A_61 = vector.load %arg17[%swap3A, %swap3A_60] : memref<10000x128xf32, #tpu.memory_space<vmem>>, vector<2000x128xf32>
      tpu.vector_store %arg17[%swap3A, %swap3A_60], %max3A_57 {strides = array<i32>} : memref<10000x128xf32, #tpu.memory_space<vmem>>, vector<2000x128xf32>,
    } else {
    }
    %eq3A = arith.constant 10 : i32
    %eq3A_8 = arith.cmpi eq, %arg0, %eq3A : i32
    %convert_element_type3A_9 = arith.extui %eq3A_8 : i1 to i32
    %cond3A_10 = arith.constant 0 : i32
    %cond3A_11 = arith.cmpi ne, %convert_element_type3A_9, %cond3A_10 : i32
    scf.if %cond3A_11 {
      %get3A = arith.constant 0 : index
      %get3A_12 = arith.constant 0 : index
      %get3A_13 = vector.load %arg17[%get3A, %get3A_12] : memref<10000x128xf32, #tpu.memory_space<vmem>>, vector<10000x128xf32>
      %get3A_14 = arith.constant 0 : index
      %get3A_15 = arith.constant 0 : index
      %get3A_16 = vector.load %arg8[%get3A_14, %get3A_15] : memref<128x1xf32, #tpu.memory_space<vmem>>, vector<128x1xf32>
      %dot_general3A = arith.constant dense<0.000000e+00> : vector<10000x1xf32>
      %dot_general3A_17 = tpu.matmul %get3A_13, %get3A_16, %dot_general3A {dimension_numbers = #tpu.dot_dimension_numbers<[1], [0], [0], [1], [0, 0, 1, 1], [], []>, transpose_lhs_hint = false} : vector<10000x128xf32>, vector<128x1xf32>, vector<10000x1xf32> -> vector<10000x1xf32>
      %get3A_18 = arith.constant 0 : index
      %get3A_19 = arith.constant 0 : index
      %get3A_20 = vector.load %arg9[%get3A_18, %get3A_19] : memref<1x1xf32, #tpu.memory_space<vmem>>, vector<1x1xf32>
      %add3A = vector.broadcast %get3A_20 : vector<1x1xf32> to vector<10000x1xf32>
      %add3A_21 = arith.addf %dot_general3A_17, %add3A : vector<10000x1xf32>
      %get3A_22 = arith.constant 0 : index
      %get3A_23 = arith.constant 0 : index
      %get3A_24 = vector.load %arg10[%get3A_22, %get3A_23] : memref<10000x1xi32, #tpu.memory_space<vmem>>, vector<10000x1xi32>
      %iota3A = tpu.iota {dimensions = array<i32: 1>} : vector<1x64xi32>
      %eq3A_25 = vector.broadcast %get3A_24 : vector<10000x1xi32> to vector<10000x64xi32>
      %eq3A_26 = vector.broadcast %iota3A : vector<1x64xi32> to vector<10000x64xi32>
      %eq3A_27 = arith.cmpi eq, %eq3A_25, %eq3A_26 : vector<10000x64xi32>
      %convert_element_type3A_28 = arith.extui %eq3A_27 : vector<10000x64xi1> to vector<10000x64xi32>
      %convert_element_type3A_29 = arith.sitofp %convert_element_type3A_28 : vector<10000x64xi32> to vector<10000x64xf32>
      %jit3A = arith.constant -3.000000e+38 : f32
      %broadcast_in_dim3A = vector.shape_cast %add3A_21 : vector<10000x1xf32> to vector<10000x1xf32>
      %broadcast_in_dim3A_30 = vector.broadcast %broadcast_in_dim3A : vector<10000x1xf32> to vector<10000x64xf32>
      %broadcast_in_dim3A_31 = vector.broadcast %jit3A : f32 to vector<10000x64xf32>
      %select_n3A = arith.select %eq3A_27, %broadcast_in_dim3A_30, %broadcast_in_dim3A_31 : vector<10000x64xi1>, vector<10000x64xf32>
      %reduce_max3A = arith.constant dense<0xFF800000> : vector<64xf32>
      %reduce_max3A_32 = vector.multi_reduction <maximumf>, %select_n3A, %reduce_max3A [0] : vector<10000x64xf32> to vector<64xf32>
      %broadcast_in_dim3A_33 = vector.shape_cast %reduce_max3A_32 : vector<64xf32> to vector<1x64xf32>
      %jit3A_34 = arith.constant -3.000000e+38 : f32
      %broadcast_in_dim3A_35 = vector.shape_cast %broadcast_in_dim3A_33 : vector<1x64xf32> to vector<1x64xf32>
      %broadcast_in_dim3A_36 = vector.broadcast %broadcast_in_dim3A_35 : vector<1x64xf32> to vector<10000x64xf32>
      %broadcast_in_dim3A_37 = vector.broadcast %jit3A_34 : f32 to vector<10000x64xf32>
      %select_n3A_38 = arith.select %eq3A_27, %broadcast_in_dim3A_36, %broadcast_in_dim3A_37 : vector<10000x64xi1>, vector<10000x64xf32>
      %reduce_max3A_39 = arith.constant dense<0xFF800000> : vector<10000xf32>
      %reduce_max3A_40 = vector.multi_reduction <maximumf>, %select_n3A_38, %reduce_max3A_39 [1] : vector<10000x64xf32> to vector<10000xf32>
      %broadcast_in_dim3A_41 = vector.shape_cast %reduce_max3A_40 : vector<10000xf32> to vector<10000x1xf32>
      %sub3A = arith.subf %add3A_21, %broadcast_in_dim3A_41 : vector<10000x1xf32>
      %exp3A = math.exp %sub3A : vector<10000x1xf32>
      %mul3A = vector.broadcast %exp3A : vector<10000x1xf32> to vector<10000x64xf32>
      %mul3A_42 = arith.mulf %convert_element_type3A_29, %mul3A : vector<10000x64xf32>
      %reduce_sum3A = arith.constant dense<0.000000e+00> : vector<64xf32>
      %reduce_sum3A_43 = vector.multi_reduction <add>, %mul3A_42, %reduce_sum3A [0] : vector<10000x64xf32> to vector<64xf32>
      %broadcast_in_dim3A_44 = vector.shape_cast %reduce_sum3A_43 : vector<64xf32> to vector<1x64xf32>
      %jit3A_45 = arith.constant 0.000000e+00 : f32
      %broadcast_in_dim3A_46 = vector.shape_cast %broadcast_in_dim3A_44 : vector<1x64xf32> to vector<1x64xf32>
      %broadcast_in_dim3A_47 = vector.broadcast %broadcast_in_dim3A_46 : vector<1x64xf32> to vector<10000x64xf32>
      %broadcast_in_dim3A_48 = vector.broadcast %jit3A_45 : f32 to vector<10000x64xf32>
      %select_n3A_49 = arith.select %eq3A_27, %broadcast_in_dim3A_47, %broadcast_in_dim3A_48 : vector<10000x64xi1>, vector<10000x64xf32>
      %reduce_sum3A_50 = arith.constant dense<0.000000e+00> : vector<10000xf32>
      %reduce_sum3A_51 = vector.multi_reduction <add>, %select_n3A_49, %reduce_sum3A_50 [1] : vector<10000x64xf32> to vector<10000xf32>
      %broadcast_in_dim3A_52 = vector.shape_cast %reduce_sum3A_51 : vector<10000xf32> to vector<10000x1xf32>
      %add3A_53 = arith.constant 1.000000e-16 : f32
      %add3A_54 = vector.broadcast %add3A_53 : f32 to vector<10000x1xf32>
      %add3A_55 = arith.addf %broadcast_in_dim3A_52, %add3A_54 : vector<10000x1xf32>
      %div3A = arith.divf %exp3A, %add3A_55 : vector<10000x1xf32>
      %mul3A_56 = vector.broadcast %div3A : vector<10000x1xf32> to vector<10000x128xf32>
      %mul3A_57 = arith.mulf %mul3A_56, %get3A_13 : vector<10000x128xf32>
      %dot_general3A_58 = arith.constant dense<0.000000e+00> : vector<64x128xf32>
      %dot_general3A_59 = tpu.matmul %convert_element_type3A_29, %mul3A_57, %dot_general3A_58 {dimension_numbers = #tpu.dot_dimension_numbers<[0], [0], [1], [1], [0, 1, 1, 1], [], []>, transpose_lhs_hint = false} : vector<10000x64xf32>, vector<10000x128xf32>, vector<64x128xf32> -> vector<64x128xf32>
      %reduce_sum3A_60 = arith.constant dense<0.000000e+00> : vector<128xf32>
      %reduce_sum3A_61 = vector.multi_reduction <add>, %dot_general3A_59, %reduce_sum3A_60 [0] : vector<64x128xf32> to vector<128xf32>
      %broadcast_in_dim3A_62 = vector.shape_cast %reduce_sum3A_61 : vector<128xf32> to vector<1x128xf32>
      %div3A_63 = arith.constant 6.400000e+01 : f32
      %div3A_64 = vector.broadcast %div3A_63 : f32 to vector<1x128xf32>
      %div3A_65 = arith.divf %broadcast_in_dim3A_62, %div3A_64 : vector<1x128xf32>
      %sub3A_66 = vector.broadcast %div3A_65 : vector<1x128xf32> to vector<64x128xf32>
      %sub3A_67 = arith.subf %dot_general3A_59, %sub3A_66 : vector<64x128xf32>
      %integer_pow3A = arith.mulf %sub3A_67, %sub3A_67 : vector<64x128xf32>
      %reduce_sum3A_68 = arith.constant dense<0.000000e+00> : vector<128xf32>
      %reduce_sum3A_69 = vector.multi_reduction <add>, %integer_pow3A, %reduce_sum3A_68 [0] : vector<64x128xf32> to vector<128xf32>
      %broadcast_in_dim3A_70 = vector.shape_cast %reduce_sum3A_69 : vector<128xf32> to vector<1x128xf32>
      %div3A_71 = arith.constant 6.400000e+01 : f32
      %div3A_72 = vector.broadcast %div3A_71 : f32 to vector<1x128xf32>
      %div3A_73 = arith.divf %broadcast_in_dim3A_70, %div3A_72 : vector<1x128xf32>
      %sub3A_74 = vector.broadcast %div3A_65 : vector<1x128xf32> to vector<64x128xf32>
      %sub3A_75 = arith.subf %dot_general3A_59, %sub3A_74 : vector<64x128xf32>
      %add3A_76 = arith.constant 9.99999974E-6 : f32
      %add3A_77 = vector.broadcast %add3A_76 : f32 to vector<1x128xf32>
      %add3A_78 = arith.addf %div3A_73, %add3A_77 : vector<1x128xf32>
      %sqrt3A = math.sqrt %add3A_78 : vector<1x128xf32>
      %div3A_79 = vector.broadcast %sqrt3A : vector<1x128xf32> to vector<64x128xf32>
      %div3A_80 = arith.divf %sub3A_75, %div3A_79 : vector<64x128xf32>
      %get3A_81 = arith.constant 0 : index
      %get3A_82 = arith.constant 0 : index
      %get3A_83 = vector.load %arg11[%get3A_81, %get3A_82] : memref<1x128xf32, #tpu.memory_space<vmem>>, vector<1x128xf32>
      %mul3A_84 = vector.broadcast %get3A_83 : vector<1x128xf32> to vector<64x128xf32>
      %mul3A_85 = arith.mulf %div3A_80, %mul3A_84 : vector<64x128xf32>
      %get3A_86 = arith.constant 0 : index
      %get3A_87 = arith.constant 0 : index
      %get3A_88 = vector.load %arg12[%get3A_86, %get3A_87] : memref<1x128xf32, #tpu.memory_space<vmem>>, vector<1x128xf32>
      %add3A_89 = vector.broadcast %get3A_88 : vector<1x128xf32> to vector<64x128xf32>
      %add3A_90 = arith.addf %mul3A_85, %add3A_89 : vector<64x128xf32>
      %get3A_91 = arith.constant 0 : index
      %get3A_92 = arith.constant 0 : index
      %get3A_93 = vector.load %arg13[%get3A_91, %get3A_92] : memref<128x10xf32, #tpu.memory_space<vmem>>, vector<128x10xf32>
      %dot_general3A_94 = arith.constant dense<0.000000e+00> : vector<64x10xf32>
      %dot_general3A_95 = tpu.matmul %add3A_90, %get3A_93, %dot_general3A_94 {dimension_numbers = #tpu.dot_dimension_numbers<[1], [0], [0], [1], [0, 0, 1, 1], [], []>, transpose_lhs_hint = false} : vector<64x128xf32>, vector<128x10xf32>, vector<64x10xf32> -> vector<64x10xf32>
      %get3A_96 = arith.constant 0 : index
      %get3A_97 = arith.constant 0 : index
      %get3A_98 = vector.load %arg14[%get3A_96, %get3A_97] : memref<1x10xf32, #tpu.memory_space<vmem>>, vector<1x10xf32>
      %add3A_99 = vector.broadcast %get3A_98 : vector<1x10xf32> to vector<64x10xf32>
      %add3A_100 = arith.addf %dot_general3A_95, %add3A_99 : vector<64x10xf32>
      %reduce_max3A_101 = arith.constant dense<0xFF800000> : vector<64xf32>
      %reduce_max3A_102 = vector.multi_reduction <maximumf>, %add3A_100, %reduce_max3A_101 [1] : vector<64x10xf32> to vector<64xf32>
      %broadcast_in_dim3A_103 = vector.shape_cast %reduce_max3A_102 : vector<64xf32> to vector<64x1xf32>
      %sub3A_104 = vector.broadcast %broadcast_in_dim3A_103 : vector<64x1xf32> to vector<64x10xf32>
      %sub3A_105 = arith.subf %add3A_100, %sub3A_104 : vector<64x10xf32>
      %exp3A_106 = math.exp %sub3A_105 : vector<64x10xf32>
      %reduce_sum3A_107 = arith.constant dense<0.000000e+00> : vector<64xf32>
      %reduce_sum3A_108 = vector.multi_reduction <add>, %exp3A_106, %reduce_sum3A_107 [1] : vector<64x10xf32> to vector<64xf32>
      %broadcast_in_dim3A_109 = vector.shape_cast %reduce_sum3A_108 : vector<64xf32> to vector<64x1xf32>
      %log3A = math.log %broadcast_in_dim3A_109 : vector<64x1xf32>
      %add3A_110 = arith.addf %broadcast_in_dim3A_103, %log3A : vector<64x1xf32>
      %sub3A_111 = vector.broadcast %add3A_110 : vector<64x1xf32> to vector<64x10xf32>
      %sub3A_112 = arith.subf %add3A_100, %sub3A_111 : vector<64x10xf32>
      %swap3A = arith.constant 0 : index
      %swap3A_113 = arith.constant 0 : index
      %swap3A_114 = vector.load %arg15[%swap3A, %swap3A_113] : memref<64x10xf32, #tpu.memory_space<vmem>>, vector<64x10xf32>
      tpu.vector_store %arg15[%swap3A, %swap3A_113], %sub3A_112 {strides = array<i32>} : memref<64x10xf32, #tpu.memory_space<vmem>>, vector<64x10xf32>,
    } else {
    }
    return
  }
  func.func @transform_0(%arg0: i32) -> (i32, i32, i32) {
    %min3A = arith.constant 4 : i32
    %min3A_0 = arith.minsi %arg0, %min3A : i32
    %c0_i32 = arith.constant 0 : i32
    %c0_i32_1 = arith.constant 0 : i32
    %c0_i32_2 = arith.constant 0 : i32
    return %c0_i32, %min3A_0, %c0_i32_1 : i32, i32, i32
  }
  func.func @transform_1(%arg0: i32) -> (i32, i32) {
    %c0_i32 = arith.constant 0 : i32
    %c0_i32_0 = arith.constant 0 : i32
    %c0_i32_1 = arith.constant 0 : i32
    return %c0_i32, %c0_i32_0 : i32, i32
  }
  func.func @transform_2(%arg0: i32) -> (i32, i32) {
    %c0_i32 = arith.constant 0 : i32
    %c0_i32_0 = arith.constant 0 : i32
    %c0_i32_1 = arith.constant 0 : i32
    return %c0_i32, %c0_i32_0 : i32, i32
  }
  func.func @transform_3(%arg0: i32) -> (i32, i32) {
    %c0_i32 = arith.constant 0 : i32
    %c0_i32_0 = arith.constant 0 : i32
    %c0_i32_1 = arith.constant 0 : i32
    return %c0_i32, %c0_i32_0 : i32, i32
  }
  func.func @transform_4(%arg0: i32) -> (i32, i32) {
    %c0_i32 = arith.constant 0 : i32
    %c0_i32_0 = arith.constant 0 : i32
    %c0_i32_1 = arith.constant 0 : i32
    return %c0_i32, %c0_i32_0 : i32, i32
  }
  func.func @transform_5(%arg0: i32) -> (i32, i32) {
    %c0_i32 = arith.constant 0 : i32
    %c0_i32_0 = arith.constant 0 : i32
    %c0_i32_1 = arith.constant 0 : i32
    return %c0_i32, %c0_i32_0 : i32, i32
  }
  func.func @transform_6(%arg0: i32) -> (i32, i32) {
    %c0_i32 = arith.constant 0 : i32
    %c0_i32_0 = arith.constant 0 : i32
    %c0_i32_1 = arith.constant 0 : i32
    return %c0_i32, %c0_i32_0 : i32, i32
  }
  func.func @transform_7(%arg0: i32) -> (i32, i32) {
    %c0_i32 = arith.constant 0 : i32
    %c0_i32_0 = arith.constant 0 : i32
    %c0_i32_1 = arith.constant 0 : i32
    return %c0_i32, %c0_i32_0 : i32, i32
  }
  func.func @transform_8(%arg0: i32) -> (i32, i32) {
    %c0_i32 = arith.constant 0 : i32
    %c0_i32_0 = arith.constant 0 : i32
    %c0_i32_1 = arith.constant 0 : i32
    return %c0_i32, %c0_i32_0 : i32, i32
  }
  func.func @transform_9(%arg0: i32) -> (i32, i32) {
    %c0_i32 = arith.constant 0 : i32
    %c0_i32_0 = arith.constant 0 : i32
    %c0_i32_1 = arith.constant 0 : i32
    return %c0_i32, %c0_i32_0 : i32, i32
  }
  func.func @transform_10(%arg0: i32) -> (i32, i32) {
    %c0_i32 = arith.constant 0 : i32
    %c0_i32_0 = arith.constant 0 : i32
    %c0_i32_1 = arith.constant 0 : i32
    return %c0_i32, %c0_i32_0 : i32, i32
  }
  func.func @transform_11(%arg0: i32) -> (i32, i32) {
    %c0_i32 = arith.constant 0 : i32
    %c0_i32_0 = arith.constant 0 : i32
    %c0_i32_1 = arith.constant 0 : i32
    return %c0_i32, %c0_i32_0 : i32, i32
  }
  func.func @transform_12(%arg0: i32) -> (i32, i32) {
    %c0_i32 = arith.constant 0 : i32
    %c0_i32_0 = arith.constant 0 : i32
    %c0_i32_1 = arith.constant 0 : i32
    return %c0_i32, %c0_i32_0 : i32, i32
  }
  func.func @transform_13(%arg0: i32) -> (i32, i32) {
    %c0_i32 = arith.constant 0 : i32
    %c0_i32_0 = arith.constant 0 : i32
    %c0_i32_1 = arith.constant 0 : i32
    return %c0_i32, %c0_i32_0 : i32, i32
  }
  func.func @transform_14(%arg0: i32) -> (i32, i32) {
    %c0_i32 = arith.constant 0 : i32
    %c0_i32_0 = arith.constant 0 : i32
    %c0_i32_1 = arith.constant 0 : i32
    return %c0_i32, %c0_i32_0 : i32, i32
  }
}

</mosaic_0001>

<sc_bundles>
// kernel: kernel.4.cloned.1.call-start
scs
__scs_entry_jumppad:
0x0: {  	(pc) =	sbr.rel $0x88, $3  }
0x1: {  	(tag) =	ssettag $0x0;
	lr =	simm.s32 $0x1  }
0x2: {  	[smem:$0x3F92] =	sst lr;
	_ =	strace $0xD0000000  }
0x3: {  	_ = 	snop  }
0x4: {  	_ = 	snop  }
0x5: {  	_ = 	snop  }
0x6: {  	_ = 	snop  }
0x7: {  	_ = 	snop  }
__scs_overlays_trampoline_lowered:
0x8: {  	[smem:$0x3FA1] =	sst s0  }
0x9: {  	[smem:$0x3FA2] =	sst s1  }
0xa: {  	[smem:$0x3FA3] =	sst s2  }
0xb: {  	[smem:$0x3FA4] =	sst s3  }
0xc: {  	[smem:$0x3FA5] =	sst s4  }
0xd: {  	[smem:$0x3FA6] =	sst s5  }
0xe: {  	[smem:$0x3FA7] =	sst s6  }
0xf: {  	[smem:$0x3FA8] =	sst s7  }
0x10: {  	[smem:$0x3FA9] =	sst s8  }
0x11: {  	[smem:$0x3FAA] =	sst s9;
	s0 =	simm.s32 @!p0 $0x0  }
0x12: {  	s1 =	sld [smem:$0x3F90];
	s0 =	simm.s32 @p0 $0x1  }
0x13: {  	[smem:$0x3FAB] =	sst s0;
	s0 =	simm.s32 @!p1 $0x0  }
0x14: {  	s2 =	sld [smem:$0x3F8F];
	s0 =	simm.s32 @p1 $0x1  }
0x15: {  	[smem:$0x3FAC] =	sst s0;
	s0 =	simm.s32 @!p2 $0x0  }
0x16: {  	s3 =	sld [smem:$0x3FDB];
	s0 =	simm.s32 @p2 $0x1  }
0x17: {  	s4 =	simm.s32 $0x1BF5;
	[smem:$0x3FAE] =	sst s0  }
0x18: {  	s0 =	sld [smem:$0x3F91];
	_ =	swait.ge [sflag:s4], $0x0  }
0x19: {  	s7 =	sld [smem:$0x3F92]  }
0x1a: {  	s8 =	sadd.s32 $0xFFFFE003, lr  }
0x1b: {  	s9 =	sadd.s32 $0xFFFFFEF7, lr;
	s5 =	simm.s32 $0xFFFFFFFF;
	p2 =	slt.u32 s8, $0xFFFFF086  }
0x1c: {  	p1 =	slt.u32 s9, $0xF7A;
	s5 =	simm.s32 @!p2 $0x0  }
0x1d: {  	s5 =	simm.s32 @p1 $0x1;
	p0 =	seq.s32 s7, s2  }
0x1e: {  	s7 =	smul.u32 @!p0 $0xF7A, s2;
	p2 =	seq.s32 @!p0 s5, $0x0  }
0x1f: {  	s9 =	smul.u32 $0xF7A, s1;
	s8 =	simm.s32 @!p0 $0x1BF5;
	p2 =	por !p2, p0  }
0x20: {  	[sflag:s8] =	ssyncset.s32 @!p0 $0xFFFFF086;
	s6 =	sadd.s32 @!p0 s3, s7;
	s7 =	simm.s32 @!p0 $0x108  }
0x21: {  	s3 =	sadd.s32 s3, s9;
	s6 =	sadd.s32 @!p0 $0x88, s6;
	s7 =	simm.s32 @p2 $0x1082  }
0x22: {  	[simem:s7], [sflag:s8] =	dma.local @!p0 [hbm:s6], $0xF7A  }
0x23: {  	s9 =	sor.u32 $0xD0000000, s2;
	s6 =	simm.s32 $0x108;
	_ =	swait.ge @!p0 [sflag:s8], $0x0  }
0x24: {  	s3 =	sadd.s32 $0x88, s3;
	s6 =	simm.s32 @!p1 $0x1082;
	[sflag:s4] =	ssyncset.s32 $0xFFFFF086  }
0x25: {  	[simem:s6], [sflag:s4] =	dma.local [hbm:s3], $0xF7A  }
0x26: {  	[smem:$0x3F92] =	sst s1;
	(tag) =	ssettag s2;
	_ =	strace s9  }
0x27: {  	s1 =	sld [smem:$0x3FA2]  }
0x28: {  	s2 =	sld [smem:$0x3FA3]  }
0x29: {  	s4 =	sld [smem:$0x3FA5]  }
0x2a: {  	p0 =	seq.s32 s5, $0x0;
	s5 =	sld [smem:$0x3FA6]  }
0x2b: {  	s6 =	sld [smem:$0x3FA7]  }
0x2c: {  	s7 =	sld [smem:$0x3FA8]  }
0x2d: {  	s3 =	simm.s32 $0x108;
	s8 =	sld [smem:$0x3FA9]  }
0x2e: {  	s3 =	simm.s32 @!p0 $0x1082;
	s9 =	sld [smem:$0x3FAA]  }
0x2f: {  	lr =	sadd.s32 s0, s3;
	s0 =	sld [smem:$0x3FA1]  }
0x30: {  	s3 =	sld [smem:$0x3FA4]  }
0x31: {  	[smem:$0x3FAD] =	sst s10  }
0x32: {  	s10 =	sld [smem:$0x3FAB];
	_ =	sdelay $0x3  }
0x33: {  	p0 =	seq.s32 s10, $0x1;
	s10 =	sld [smem:$0x3FAD];
	_ =	sdelay $0x3  }
0x34: {  	[smem:$0x3FAD] =	sst s10  }
0x35: {  	s10 =	sld [smem:$0x3FAC];
	_ =	sdelay $0x3  }
0x36: {  	p1 =	seq.s32 s10, $0x1;
	s10 =	sld [smem:$0x3FAD];
	_ =	sdelay $0x3  }
0x37: {  	[smem:$0x3FAD] =	sst s10  }
0x38: {  	s10 =	sld [smem:$0x3FAE]  }
0x39: {  	_ = 	snop;
	(pc) =	sbr.ind lr, $3  }
0x3a: {  	_ = 	snop  }
0x3b: {  	_ = 	snop  }
0x3c: {  	p2 =	seq.s32 s10, $0x1;
	s10 =	sld [smem:$0x3FAD]  }
0x3d: {  	_ =	shalt  }
0x3e: {  	_ =	shalt  }
0x3f: {  	_ =	shalt  }
0x40: {  	_ =	shalt  }
0x41: {  	_ =	shalt  }
0x42: {  	_ =	shalt  }
0x43: {  	_ =	shalt  }
0x44: {  	_ =	shalt  }
0x45: {  	_ =	shalt  }
0x46: {  	_ =	shalt  }
0x47: {  	_ =	shalt  }
0x48: {  	_ =	shalt  }
0x49: {  	_ =	shalt  }
0x4a: {  	_ =	shalt  }
0x4b: {  	_ =	shalt  }
0x4c: {  	_ =	shalt  }
0x4d: {  	_ =	shalt  }
0x4e: {  	_ =	shalt  }
0x4f: {  	_ =	shalt  }
0x50: {  	_ =	shalt  }
0x51: {  	_ =	shalt  }
0x52: {  	_ =	shalt  }
0x53: {  	_ =	shalt  }
0x54: {  	_ =	shalt  }
0x55: {  	_ =	shalt  }
0x56: {  	_ =	shalt  }
0x57: {  	_ =	shalt  }
0x58: {  	_ =	shalt  }
0x59: {  	_ =	shalt  }
0x5a: {  	_ =	shalt  }
0x5b: {  	_ =	shalt  }
0x5c: {  	_ =	shalt  }
0x5d: {  	_ =	shalt  }
0x5e: {  	_ =	shalt  }
0x5f: {  	_ =	shalt  }
0x60: {  	_ =	shalt  }
0x61: {  	_ =	shalt  }
0x62: {  	_ =	shalt  }
0x63: {  	_ =	shalt  }
0x64: {  	_ =	shalt  }
0x65: {  	_ =	shalt  }
0x66: {  	_ =	shalt  }
0x67: {  	_ =	shalt  }
0x68: {  	_ =	shalt  }
0x69: {  	_ =	shalt  }
0x6a: {  	_ =	shalt  }
0x6b: {  	_ =	shalt  }
0x6c: {  	_ =	shalt  }
0x6d: {  	_ =	shalt  }
0x6e: {  	_ =	shalt  }
0x6f: {  	_ =	shalt  }
0x70: {  	_ =	shalt  }
0x71: {  	_ =	shalt  }
0x72: {  	_ =	shalt  }
0x73: {  	_ =	shalt  }
0x74: {  	_ =	shalt  }
0x75: {  	_ =	shalt  }
0x76: {  	_ =	shalt  }
0x77: {  	_ =	shalt  }
0x78: {  	_ =	shalt  }
0x79: {  	_ =	shalt  }
0x7a: {  	_ =	shalt  }
0x7b: {  	_ =	shalt  }
0x7c: {  	_ =	shalt  }
0x7d: {  	_ =	shalt  }
0x7e: {  	_ =	shalt  }
0x7f: {  	_ =	shalt  }
0x80: {  	_ =	shalt  }
0x81: {  	_ =	shalt  }
0x82: {  	_ =	shalt  }
0x83: {  	_ =	shalt  }
0x84: {  	_ =	shalt  }
0x85: {  	_ =	shalt  }
0x86: {  	_ =	shalt  }
0x87: {  	_ =	shalt  }
.Lfunc_end0:
.L_simem_size_0:
called_computation_lowered:
.L_overlay_start_0:
0x88: {  	s2 =	sld [smem:$0x3FD9]  }
0x89: {  	s3 =	sld [smem:$0x3FFE];
	_ =	sdelay $0x1  }
0x8a: {  	s1 =	srdreg.scid  }
0x8b: {  	s0 =	sand.u32 $0x1, s1  }
0x8c: {  	s17 =	sshll.u32 s0, $0xA;
	s2 =	sadd.s32 s3, s2  }
0x8d: {  	s2 =	sadd.s32 s2, s17  }
0x8e: {  	[smem:$0x3FB9] =	sst s2  }
0x8f: {  	_ = 	snop  }
0x90: {  	s2 =	sld [smem:$0x3FC9];
	(tm) =	ssettm $0x1  }
0x91: {  	s18 =	sld [smem:$0x3FFB];
	_ =	sdelay $0x3  }
0x92: {  	_ =	strace s18  }
0x93: {  	s3 =	sld [smem:$0x3FFC];
	_ =	sdelay $0x3  }
0x94: {  	_ =	strace s3  }
0x95: {  	s3 =	sld [smem:$0x3FFD];
	_ =	sdelay $0x3  }
0x96: {  	_ =	strace s3  }
0x97: {  	_ =	strace $0x8FFFFFFF  }
0x98: {  	s19 =	sld [smem:$0x3FDB];
	_ =	sdelay $0x1  }
0x99: {  	s4 =	simm.s32 $_scs_section_size  }
0x9a: {  	s5 =	simm.s32 $_size__tile_overlayer_lowered;
	s6 =	simm.s32 $_tile_overlayer_lowered  }
0x9b: {  	s22 =	simm.s32 $0x1BFF;
	s21 =	sshll.u32 s6, $0x1;
	s3 =	sadd.s32 s4, s19  }
0x9c: {  	s7 =	simm.s32 $0x0;
	s20 =	sshll.u32 s5, $0x1;
	s5 =	sadd.s32 s21, s3  }
0x9d: {  	[timem:s7], [sflag:s22] =	dma.local [hbm:s5], s20  }
0x9e: {  	_ =	swait.ge [sflag:s22], s20  }
0x9f: {  	s4 =	ssub.s32 $0x0, s20;
	[sflag:s22] =	ssyncset.done $0x0  }
0xa0: {  	[sflag:s22] =	ssyncadd.s32 s4;
	_ =	sdelay $0x1  }
0xa1: {  	s23 =	simm.s32 $0x1B8B  }
0xa2: {  	_ =	swait.ge [sflag:s23], $0x1  }
0xa3: {  	[sflag:s23] =	ssyncset.done $0x0  }
0xa4: {  	s25 =	simm.s32 $0x1B8E;
	s24 =	sld [smem:$0x3FFE];
	[sflag:s23] =	ssyncadd.s32 $0xFFFFFFFF  }
0xa5: {  	s26 =	simm.s32 $execute0_lowered;
	[smem:$0x3FD2] =	sst s25  }
0xa6: {  	s5 =	sshll.u32 s26, $0x1;
	_ =	strace $0x80000046;
	[dreg:$0x1] =	wrdreg $0xFFFFFFFF  }
0xa7: {  	s28 =	simm.s32 $_size_execute0_lowered;
	s3 =	sadd.s32 s3, s5;
	[dreg:$0x0] =	wrdreg $0x0  }
0xa8: {  	s5 =	sshll.u32 s28, $0x1;
	[dreg:$0x2] =	wrdreg s3  }
0xa9: {  	[dreg:$0x3] =	wrdreg s5  }
0xaa: {  	[dreg:$0x4] =	wrdreg $0xC0  }
0xab: {  	_ =	task [dreg:s7], $0x5FFFF  }
0xac: {  	[dreg:$0x1] =	wrdreg $0xFFFFFFFF  }
0xad: {  	[dreg:$0x0] =	wrdreg $0x60  }
0xae: {  	[dreg:$0x2] =	wrdreg s2  }
0xaf: {  	[dreg:$0x3] =	wrdreg s24  }
0xb0: {  	[dreg:$0x4] =	wrdreg $0x8F800  }
0xb1: {  	[dreg:$0x5] =	wrdreg $0x9  }
0xb2: {  	_ =	task.clear_ibuf [dreg:s7], $0x6FFFF;
	_ =	strace $0x90000046  }
0xb3: {  	s29 =	simm.s32 $0x9;
	_ =	strace $0x80000048  }
0xb4: {  	_ =	swait.ge [sflag:s29], $0x1  }
0xb5: {  	[sflag:s29] =	ssyncadd.s32 $0xFFFFFFFF  }
0xb6: {  	_ =	strace $0x90000048  }
0xb7: {  	_ =	sfence  }
0xb8: {  	s30 =	sld [smem:$0x0];
	_ =	sdelay $0x2  }
0xb9: {  	s31 =	sshll.u32 s1, $0xD;
	s1 =	sshrl.u32 s1, $0x2  }
0xba: {  	s3 =	sand.u32 $0x4000, s31;
	s1 =	sadd.s32 s1, s30  }
0xbb: {  	s0 =	sor.u32 s3, s0;
	s1 =	sshll.u32 s1, $0x11  }
0xbc: {  	s0 =	sor.u32 s1, s0  }
0xbd: {  	s0 =	sadd.s32 $0x8F2B, s0  }
0xbe: {  	[sflag:s0] =	ssyncadd.remote.s32 $0x1  }
0xbf: {  	_ =	sfence.sel $0xFFFF  }
0xc0: {  	[dreg:$0x0] =	wrdreg $0xFFFFFFFF;
	(pc) =	sbr.abs _section_cstart, $3  }
0xc1: {  	[dreg:$0x1] =	wrdreg $0xFFFFFFFF  }
0xc2: {  	_ =	task.clear_ibuf [dreg:s7], $0x2FFFF;
	_ =	strace $0x9FFFFFFF  }
0xc3: {  	(tm) =	ssettm $0x7FFFFFFF  }
tec
execute0_lowered:
.L_overlay_start_1:
0x0: {  	(tag) =	ssettag $0x1  }
0x1: {  	s1 =	rddreg [dreg:$0x0]  }
0x2: {  	s2 =	srdreg.scid;
	s6 =	rddreg [dreg:$0x1]  }
0x3: {  	s0 =	stileid.u32;
	s3 =	rddreg [dreg:$0x2];
	s4 =	simm.s32 $0x0  }
0x4: {  	s17 =	simm.s32 $0x2;
	s18 =	simm.s32 $0x2780;
	s28 =	simm.s32 $0x0  }
0x5: {  	s12 =	sand.u32 $0x1, s2;
	s24 =	sshll.u32 s0, $0x1;
	s25 =	sshrl.u32 s0, $0x2  }
0x6: {  	[smem:$0x7FF] =	sst s4;
	s13 =	sadd.s32 $0x1DC00, s6;
	s29 =	smul.u32 $0x50000, s0  }
0x7: {  	p4 =	sne.s32 s0, $0xF;
	p0 =	seq.s32 s0, $0xF;
	s11 =	smul.u32 $0x2800, s0  }
0x8: {  	s30 =	sadd.s32 $0x25800, s1;
	s16 =	smul.u32 $0x14000, s0;
	s19 =	sshll.u32 s0, $0x6  }
0x9: {  	s5 =	sor.u32 s12, s24;
	s7 =	smul.u32 $0x13C00, s25;
	_ =	strace $0x80000047  }
0xa: {  	s26 =	ssub.s32 $0x2, s12;
	p2 =	seq.s32 s12, $0x0;
	s15 =	smul.u32 $0x138800, s12  }
0xb: {  	[dreg:$0x4] =	wrdreg s30;
	p3 =	seq.s32 s12, $0x1;
	s19 =	sor.u32 $0x1C02, s19  }
0xc: {  	s24 =	simm.s32 $0x50;
	s25 =	simm.s32 $0x6780;
	s8 =	sshll.u32 s5, $0x7  }
0xd: {  	s5 =	sshll.u32 s5, $0xB;
	s10 =	sshrl.u32 s26, $0x1;
	p1 =	por !p2, !p4  }
0xe: {  	p2 =	por !p2, !p0;
	s11 =	sadd.s32 s1, s11;
	p4 =	por !p4, !p3  }
0xf: {  	s8 =	sand.u32 $0x380, s8;
	s9 =	sadd.s32 s5, s6;
	s5 =	sadd.s32 $0x1B400, s6  }
0x10: {  	s14 =	ssub.s32 s26, s10;
	p1 =	por !p1, !p1;
	p2 =	por !p2, !p2  }
0x11: {  	s10 =	sshrl.u32 s29, $0x2;
	s31 =	sadd.s32 s16, s15;
	s15 =	sshrl.u32 s15, $0x3  }
0x12: {  	p4 =	por !p4, !p4;
	s16 =	simm.s32 $0x400;
	s26 =	simm.s32 $0x1  }
0x13: {  	s7 =	sor.u32 s7, s8;
	s8 =	sadd.s32 $0x12C000, s3;
	s10 =	sadd.s32 s10, s3  }
0x14: {  	s12 =	sshrl.u32 s31, $0x3;
	s15 =	sadd.s32 s13, s15;
	s14 =	smax.u32 s14, $0x1  }
0x15: {  	s21 =	sshll.u32 @p4 s0, $0x6;
	s7 =	sshrl.u32 s7, $0x3;
	s12 =	sadd.s32 s13, s12  }
0x16: {  	s13 =	sadd.s32 $0x25800, s15;
	s15 =	simm.s32 $0x80;
	s20 =	sshrl.u32 s10, $0x3  }
0x17: {  	s21 =	sor.u32 @p4 $0x1C02, s21;
	s22 =	sshrl.u32 @p4 s10, $0x3;
	s7 =	sadd.s32 s7, s6  }
0x18: {  	s23 =	sshrl.u32 s8, $0x3;
	s6 =	sadd.s32 $0x11600, s7;
	s7 =	sadd.s32 $0x1600, s9  }
.LBB2_1:
0x19: {  	[tilespmem:s4], [sflag:$0x2] =	stream.strided.gather [hbm4b:s6+s15], $0x2780, s16, s15, $0x38;
	[tilespmem:$0x1C880] =	vst v63  }
0x1a: {  	_ =	swait.ge [sflag:s17], $0x2780  }
0x1b: {  	[sflag:s17] =	ssyncset.done $0x0  }
.Ltmp0:
0x1c: {  	[sflag:s17] =	ssyncadd.s32 $0xFFFFD880;
	(pc) =	sbr.rel @!p1 .LBB2_4-.Ltmp0, $4  }
0x1d: {  	[tilespmem:s18], [sflag:$0x2] =	stream.linear.gather [hbm4b:s7+s4], $0x3E80, $0x38;
	[tilespmem:$0x1C880] =	vst v63  }
0x1e: {  	_ =	swait.ge [sflag:s17], $0x3E80  }
0x1f: {  	[sflag:s17] =	ssyncset.done $0x0  }
0x20: {  	[sflag:s17] =	ssyncadd.s32 $0xFFFFC180  }
.Ltmp1:
0x21: {  	(pc) =	sbr.rel .LBB2_3-.Ltmp1, $4  }
0x22: {  	[spmem:s20], [sflag:s19] =	dma.local [hbm:s11], $0x2800  }
0x23: {  	_ =	swait.ge [sflag:s17], $0x2800  }
0x24: {  	[sflag:s17] =	ssyncset.done $0x0  }
0x25: {  	p5 =	por $0x0, $0x0;
	[sflag:s17] =	ssyncadd.s32 $0xFFFFD800  }
.LBB2_4:
.Ltmp2:
0x26: {  	(pc) =	sbr.rel @!p2 .LBB2_3-.Ltmp2, $2  }
0x27: {  	_ =	sdelay $0x2  }
0x28: {  	p5 =	por p0, p0  }
.Ltmp3:
0x29: {  	(pc) =	sbr.rel .LBB2_6-.Ltmp3, $2  }
0x2a: {  	_ =	sdelay $0x2  }
0x2b: {  	p5 =	por $0x1, $0x1;
	s29 =	simm.s32 $0xF;
	s30 =	rddreg [dreg:$0x4]  }
.LBB2_3:
0x2c: {  	[spmem:s22], [sflag:s21] =	dma.local @p4 [hbm:s5], $0x2800  }
0x2d: {  	p6 =	por @p4 $0x1, $0x1  }
0x2e: {  	p6 =	por @!p4 p3, p3  }
0x2f: {  	p6 =	por !p6, !p5  }
0x30: {  	p6 =	por !p6, !p6  }
.Ltmp4:
0x31: {  	_ = 	snop;
	(pc) =	sbr.rel @!p6 .LBB2_7-.Ltmp4, $4  }
0x32: {  	s29 =	simm.s32 @p4 $0x2  }
0x33: {  	_ =	swait.ge @p4 [sflag:s29], $0x2800  }
0x34: {  	[sflag:s29] =	ssyncset.done @p4 $0x0  }
0x35: {  	s30 =	smov.u32 s5;
	[sflag:s29] =	ssyncadd.s32 @p4 $0xFFFFD800;
	s29 =	stileid.u32  }
.LBB2_6:
0x36: {  	s29 =	sshll.u32 s29, $0x6  }
0x37: {  	s29 =	sor.u32 $0x1C02, s29  }
0x38: {  	[spmem:s23], [sflag:s29] =	dma.local [hbm:s30], $0x1900  }
0x39: {  	_ =	swait.ge [sflag:s17], $0x1900  }
0x3a: {  	[sflag:s17] =	ssyncset.done $0x0  }
0x3b: {  	[sflag:s17] =	ssyncadd.s32 $0xFFFFE700  }
.LBB2_7:
0x3c: {  	[bflag:$0x0] =	sbarrier.arrive $0xFFFF;
	s29 =	simm.s32 $0x0  }
0x3d: {  	[tilespmem:s25], [sflag:$0x1] =	stream.indirect.gather [hbm4b:s1+s24], $0x80, s29, s24, $0xb8;
	[tilespmem:$0x1C880] =	vst v63  }
0x3e: {  	_ =	swait.ge [sflag:s26], $0x2800  }
0x3f: {  	[sflag:s26] =	ssyncset.done $0x0  }
0x40: {  	s29 =	simm.s32 $0x2780;
	[sflag:s26] =	ssyncadd.s32 $0xFFFFD800  }
0x41: {  	[spmem:s3] =	stream.indirect.scatter.add.f32 [tilespmem:s25], [sflag:$0x2], $0x80, s29, s24, $0xb8;
	[tilespmem:$0x1C880] =	vst v63  }
0x42: {  	s30 =	simm.s32 $0x140;
	_ =	swait.ge [sflag:s17], $0x2800  }
0x43: {  	s31 =	simm.s32 $0x280;
	s29 =	simm.s32 $0x2800;
	[sflag:s17] =	ssyncset.done $0x0  }
.LBB2_8:
0x44: {  	s2 =	sshra.s32 s30, $0x2  }
0x45: {  	[sflag:s17] =	ssyncadd.s32 $0xFFFFD800;
	s30 =	smov.u32 s31;
	s9 =	sadd.s32 $0x140, s31  }
0x46: {  	[tilespmem:s25], [sflag:$0x1] =	stream.indirect.gather [hbm4b:s1+s24], $0x80, s2, s24, $0xb8;
	[tilespmem:$0x1C880] =	vst v63  }
0x47: {  	p6 =	sne.s32 s31, $0x9B00;
	_ =	swait.ge [sflag:s26], $0x2800  }
.Ltmp5:
0x48: {  	[sflag:s26] =	ssyncset.done $0x0;
	(pc) =	sbr.rel @p6 .LBB2_8-.Ltmp5, $4  }
0x49: {  	[sflag:s26] =	ssyncadd.s32 $0xFFFFD800  }
0x4a: {  	[spmem:s3] =	stream.indirect.scatter.add.f32 [tilespmem:s25], [sflag:$0x2], $0x80, s29, s24, $0xb8;
	[tilespmem:$0x1C880] =	vst v63  }
0x4b: {  	_ =	swait.ge [sflag:s17], $0x2800  }
0x4c: {  	s31 =	smov.u32 s9;
	s29 =	sadd.s32 $0x80, s29;
	[sflag:s17] =	ssyncset.done $0x0  }
0x4d: {  	s2 =	sshra.s32 s30, $0x2;
	[sflag:s17] =	ssyncadd.s32 $0xFFFFD800  }
0x4e: {  	[tilespmem:s25], [sflag:$0x1] =	stream.indirect.gather [hbm4b:s1+s24], $0x80, s2, s24, $0xb8;
	[tilespmem:$0x1C880] =	vst v63  }
0x4f: {  	_ =	swait.ge [sflag:s26], $0x2800  }
0x50: {  	[sflag:s26] =	ssyncset.done $0x0  }
0x51: {  	[sflag:s26] =	ssyncadd.s32 $0xFFFFD800  }
0x52: {  	[spmem:s3] =	stream.indirect.scatter.add.f32 [tilespmem:s25], [sflag:$0x2], $0x80, s29, s24, $0xb8;
	[tilespmem:$0x1C880] =	vst v63  }
0x53: {  	_ =	swait.ge [sflag:s17], $0x2800  }
0x54: {  	[sflag:s17] =	ssyncset.done $0x0  }
0x55: {  	s2 =	sshll.u32 @!p0 s0, $0x6;
	[sflag:s17] =	ssyncadd.s32 $0xFFFFD800  }
0x56: {  	s9 =	sshrl.u32 @!p0 s10, $0x3;
	s2 =	sor.u32 @!p0 $0x1C02, s2;
	[bflag:$0x0] =	sbarrier.arrive $0xFFFF  }
0x57: {  	[hbm:s12], [sflag:s2] =	dma.local @!p0 [spmem:s9], $0x2800  }
0x58: {  	s2 =	simm.s32 @!p0 $0x2  }
0x59: {  	s28 =	sadd.s32 $0x1, s28;
	_ =	swait.ge @!p0 [sflag:s2], $0x2800  }
0x5a: {  	p6 =	sne.s32 s28, s14;
	s9 =	sshll.u32 @p5 s0, $0x6;
	[sflag:s2] =	ssyncset.done @!p0 $0x0  }
0x5b: {  	[sflag:s2] =	ssyncadd.s32 @!p0 $0xFFFFD800;
	s2 =	sor.u32 @p5 $0x1C02, s9;
	s9 =	sshrl.u32 @p5 s8, $0x3  }
0x5c: {  	[hbm:s13], [sflag:s2] =	dma.local @p5 [spmem:s9], $0x1900  }
.Ltmp6:
0x5d: {  	_ = 	snop;
	(pc) =	sbr.rel @p6 .LBB2_1-.Ltmp6, $4  }
0x5e: {  	s2 =	simm.s32 @p5 $0x2  }
0x5f: {  	_ =	swait.ge @p5 [sflag:s2], $0x1900  }
0x60: {  	[sflag:s2] =	ssyncset.done @p5 $0x0  }
0x61: {  	[sflag:s2] =	ssyncadd.s32 @p5 $0xFFFFE700  }
0x62: {  	_ =	sfence.sel $0x180000  }
0x63: {  	[bflag:$0x0] =	sbarrier.arrive $0xFFFF  }
0x64: {  	_ =	strace $0x90000047  }
0x65: {  	[bflag:$0x2] =	sbarrier.arrive $0xFFFF  }
0x66: {  	p0 =	sne.s32 s0, $0x0;
	s0 =	rddreg [dreg:$0x3]  }
0x67: {  	s0 =	sadd.s32 @!p0 $0x100000, s0  }
0x68: {  	[sflag:s0] =	ssyncadd.tile.s32 @!p0 $0x1;
	_ =	shalt  }
.Lfunc_end2:
_tile_overlayer_lowered:
.L_overlay_start_2:
0x69: {  	(tag) =	ssettag $0x2  }
0x6a: {  	s0 =	rddreg [dreg:$0x0];
	s2 =	stileid.u32  }
0x6b: {  	s1 =	rddreg [dreg:$0x1];
	p0 =	sne.s32 s2, $0x0  }
0x6c: {  	s3 =	rddreg [dreg:$0x2];
	[bflag:$0x3] =	sbarrier.arrive $0xFFFF;
	s2 =	simm.s32 @!p0 $0x1C02  }
0x6d: {  	[timem:s3], [sflag:s2] =	dma.local @!p0 [hbm:s0], s1  }
0x6e: {  	s0 =	simm.s32 @!p0 $0x2  }
0x6f: {  	_ =	swait.ge @!p0 [sflag:s0], s1  }
0x70: {  	s1 =	ssub.s32 @!p0 $0x0, s1;
	[sflag:s0] =	ssyncset.done @!p0 $0x0  }
0x71: {  	[sflag:s0] =	ssyncadd.s32 @!p0 s1  }
0x72: {  	[bflag:$0x3] =	sbarrier.arrive $0xFFFF  }
0x73: {  	_ =	shalt  }

</sc_bundles>
